<compile_context>
chip_gen: v7x
topology: tpu7x:2x2x1
jax: 0.10.2.dev20260603
libtpu: 0.0.44.dev20260713+nightly
codegen_flags: <defaults>
</compile_context>

<pallas_src>
import functools

import jax
import jax.numpy as jnp
from jax import lax
from jax.experimental import pallas as pl
from jax.experimental.pallas import tpu as pltpu
from jax.experimental.pallas import tpu_sc as plsc

B = 16384
D = 32
PK = 8
DW = 128
NC = 2
NS = 16
NW = NC * NS
BPW = B // NW
CH = 128
NCH = BPW // CH

QU = 128000
QI = 12800
PROWS_U = 5120
PROWS_I = 6400

BLK = 4096


def _pack_body(*refs):
    xs = refs[:PK]
    o = refs[PK]
    X = jnp.concatenate([x[...] for x in xs], axis=0)
    n = PK * D
    eye = (lax.broadcasted_iota(jnp.int32, (n, n), 0)
           == lax.broadcasted_iota(jnp.int32, (n, n), 1)).astype(jnp.float32)
    y = lax.dot_general(X, eye, (((0,), (0,)), ((), ())),
                        preferred_element_type=jnp.float32)
    lo_bits = lax.bitcast_convert_type(y[:, 0:DW], jnp.uint32)
    hi_bits = lax.bitcast_convert_type(y[:, DW:2 * DW], jnp.uint32)
    lo16 = (lo_bits + jnp.uint32(0x8000)) >> 16
    hi16 = (hi_bits + jnp.uint32(0x8000)) & jnp.uint32(0xFFFF0000)
    o[...] = lax.bitcast_convert_type(hi16 | lo16, jnp.int32)


def _pack(tT, q, prows):
    steps = q // prows
    maxb = (tT.shape[1] + prows - 1) // prows - 1
    in_specs = [
        pl.BlockSpec((D, prows),
                     lambda g, k=k: (0, jnp.minimum(k * steps + g, maxb)))
        for k in range(PK)
    ]
    return pl.pallas_call(
        _pack_body,
        grid=(steps,),
        in_specs=in_specs,
        out_specs=pl.BlockSpec((prows, DW), lambda g: (g, 0)),
        out_shape=jax.ShapeDtypeStruct((q, DW), jnp.int32),
    )(*([tT] * PK))


def _gather_body(tab, ids, out, idx, rows, sem):
    wid = lax.axis_index("s") * NC + lax.axis_index("c")
    base = wid * BPW
    pltpu.sync_copy(ids.at[wid], idx)
    copies = [
        pltpu.async_copy(tab.at[idx.at[j]], rows.at[j], sem)
        for j in range(NCH)
    ]
    for c in copies:
        c.wait()
    for j in range(NCH):
        pltpu.sync_copy(rows.at[j], out.at[pl.ds(base + j * CH, CH)])


def _sc_gather(tab, id3):
    mesh = plsc.VectorSubcoreMesh(core_axis_name="c", subcore_axis_name="s")
    fn = functools.partial(
        pl.kernel,
        mesh=mesh,
        out_type=jax.ShapeDtypeStruct((B, DW), jnp.int32),
        scratch_types=[
            pltpu.VMEM((NCH, CH), jnp.int32),
            pltpu.VMEM((NCH, CH, DW), jnp.int32),
            pltpu.SemaphoreType.DMA,
        ],
    )(_gather_body)
    return fn(tab, id3)


def _mlp_body(u, i, ulo, ilo, w1, b1, w2, b2, w3t, b3, o):
    lgrp = lax.broadcasted_iota(jnp.int32, (BLK, DW), 1) // D
    pick = (lax.broadcasted_iota(jnp.int32, (DW, D), 0) % D
            == lax.broadcasted_iota(jnp.int32, (DW, D), 1)).astype(jnp.float32)

    def select(raw, lo):
        k = lo[...].reshape(BLK, 1)
        shift = jnp.where(k < 4, jnp.uint32(16), jnp.uint32(0))
        bits = lax.bitcast_convert_type(raw[...], jnp.uint32)
        chosen = lax.bitcast_convert_type(
            (bits << shift) & jnp.uint32(0xFFFF0000), jnp.float32)
        masked = jnp.where(lgrp == k % 4, chosen, 0.0)
        return jnp.dot(masked, pick, preferred_element_type=jnp.float32)

    x = jnp.concatenate([select(u, ulo), select(i, ilo)], axis=1)
    h = jnp.maximum(
        jnp.dot(x, w1[...], preferred_element_type=jnp.float32) + b1[...], 0.0)
    h = jnp.maximum(
        jnp.dot(h, w2[...], preferred_element_type=jnp.float32) + b2[...], 0.0)
    z = jnp.sum(h * w3t[...], axis=1) + b3[0, 0]
    o[...] = jax.nn.sigmoid(z)


def _tc_mlp(u_raw, i_raw, u_lo, i_lo, W1, b1, W2, b2, W3, b3):
    b1r = b1.reshape(1, -1)
    b2r = b2.reshape(1, -1)
    w3t = W3.reshape(1, -1)
    b3r = b3.reshape(1, 1)
    grid = (B // BLK,)
    return pl.pallas_call(
        _mlp_body,
        grid=grid,
        in_specs=[
            pl.BlockSpec((BLK, DW), lambda g: (g, 0)),
            pl.BlockSpec((BLK, DW), lambda g: (g, 0)),
            pl.BlockSpec((BLK,), lambda g: (g,)),
            pl.BlockSpec((BLK,), lambda g: (g,)),
            pl.BlockSpec(W1.shape, lambda g: (0, 0)),
            pl.BlockSpec(b1r.shape, lambda g: (0, 0)),
            pl.BlockSpec(W2.shape, lambda g: (0, 0)),
            pl.BlockSpec(b2r.shape, lambda g: (0, 0)),
            pl.BlockSpec(w3t.shape, lambda g: (0, 0)),
            pl.BlockSpec(memory_space=pltpu.SMEM),
        ],
        out_specs=pl.BlockSpec((BLK,), lambda g: (g,)),
        out_shape=jax.ShapeDtypeStruct((B,), jnp.float32),
    )(u_raw, i_raw, u_lo, i_lo, W1, b1r, W2, b2r, w3t, b3r)


def kernel(user_table, item_table, W1, b1, W2, b2, W3, b3, user_ids, item_ids):
    uids = user_ids.astype(jnp.int32)
    iids = item_ids.astype(jnp.int32)
    uid3 = (uids % QU).reshape(NW, NCH, CH)
    iid3 = (iids % QI).reshape(NW, NCH, CH)
    u_lo = uids // QU
    i_lo = iids // QI
    it4 = _pack(item_table.T, QI, PROWS_I)
    i_raw = _sc_gather(it4, iid3)
    ut4 = _pack(user_table.T, QU, PROWS_U)
    u_raw = _sc_gather(ut4, uid3)
    return _tc_mlp(u_raw, i_raw, u_lo, i_lo, W1, b1, W2, b2, W3, b3)

# --- scband reference (transcript-rebuilt; emitter-appended) ---
"""Pipeline reference for scband-student-recommender-model-27539330302093 (READ-ONLY COPY).

The authoritative reference and input builder live on the scoring server;
editing this copy changes nothing except your own understanding.
"""

import jax, jax.numpy as jnp
import numpy as np

NUM_USERS = 1000000
NUM_ITEMS = 100000
EMBED_DIM = 32
BATCH = 16384
HIDDEN = [64, 32]


def setup_inputs(seed: int = 0) -> dict:
    key = jax.random.key(seed)
    ks = jax.random.split(key, 10)
    user_ids = jax.random.randint(ks[0], (BATCH,), 0, NUM_USERS, dtype=jnp.int64 if jax.config.jax_enable_x64 else jnp.int32)
    item_ids = jax.random.randint(ks[1], (BATCH,), 0, NUM_ITEMS, dtype=jnp.int64 if jax.config.jax_enable_x64 else jnp.int32)
    user_table = jax.random.normal(ks[2], (NUM_USERS, EMBED_DIM), dtype=jnp.float32) * 0.1
    item_table = jax.random.normal(ks[3], (NUM_ITEMS, EMBED_DIM), dtype=jnp.float32) * 0.1
    # MLP params (torch Linear stored as [in, out] for x @ W + b)
    in_dim = EMBED_DIM * 2
    W1 = jax.random.normal(ks[4], (in_dim, HIDDEN[0]), dtype=jnp.float32) * (1.0 / np.sqrt(in_dim))
    b1 = jnp.full((HIDDEN[0],), 0.1, dtype=jnp.float32)
    W2 = jax.random.normal(ks[5], (HIDDEN[0], HIDDEN[1]), dtype=jnp.float32) * (1.0 / np.sqrt(HIDDEN[0]))
    b2 = jnp.full((HIDDEN[1],), 0.1, dtype=jnp.float32)
    W3 = jax.random.normal(ks[6], (HIDDEN[1], 1), dtype=jnp.float32) * (1.0 / np.sqrt(HIDDEN[1]))
    b3 = jnp.full((1,), 0.1, dtype=jnp.float32)
    return {"user_table": user_table, "item_table": item_table, "W1": W1, "b1": b1, "W2": W2, "b2": b2, "W3": W3, "b3": b3, "user_ids": user_ids, "item_ids": item_ids}


def reference(user_table, item_table, W1, b1, W2, b2, W3, b3, user_ids, item_ids):
    user_emb = jnp.take(user_table, user_ids, axis=0)
    item_emb = jnp.take(item_table, item_ids, axis=0)
    features = jnp.concatenate([user_emb, item_emb], axis=-1)
    h = jnp.maximum(features @ W1 + b1, 0.0)  # Linear + ReLU (dropout is identity in eval)
    h = jnp.maximum(h @ W2 + b2, 0.0)
    logits = h @ W3 + b3
    pred = jax.nn.sigmoid(logits)
    return jnp.squeeze(pred, axis=-1)

if __name__ == "__main__":
    import jax
    _d = setup_inputs()
    print(jax.jit(kernel)(*tuple(_d.values())))

</pallas_src>

<mosaic_0001>
#map = affine_map<(d0, d1) -> (0, 0)>
#map1 = affine_map<(d0, d1) -> (0, 0, 0)>
module attributes {stable_mosaic.version = 14 : i64} {
  func.func @_gather_body(%arg0: i32, %arg1: i32, %arg2: memref<128000x128xi32, #tpu.memory_space<hbm>>, %arg3: memref<32x4x128xi32, #tpu.memory_space<hbm>>, %arg4: memref<16384x128xi32, #tpu.memory_space<hbm>>, %arg5: memref<4x128xi32, #tpu.memory_space<vmem>>, %arg6: memref<4x128x128xi32, #tpu.memory_space<vmem>>, %arg7: memref<!tpu.dma_semaphore, #tpu.memory_space<semaphore_mem>>) attributes {dimension_semantics = [#tpu.dimension_semantics<core_parallel>, #tpu.dimension_semantics<subcore_parallel>], iteration_bounds = array<i64: 2, 16>, scalar_prefetch = 0 : i64, scratch_operands = 3 : i64, tpu.core_type = #tpu.core_type<sc_vector_subcore>, window_params = [{transform_indices = #map}, {transform_indices = #map1}, {transform_indices = #map}]} {
    %mul3A = arith.constant 2 : i32
    %mul3A_0 = arith.muli %arg1, %mul3A : i32
    %add3A = arith.addi %mul3A_0, %arg0 : i32
    %mul3A_1 = arith.constant 512 : i32
    %mul3A_2 = arith.muli %add3A, %mul3A_1 : i32
    "tpu.region"() ({
      %run_scoped3A_108 = tpu.sem_alloc : memref<!tpu.dma_semaphore, #tpu.memory_space<semaphore_mem>>
      %dma_start3A_109 = arith.constant 0 : i32
      %dma_start3A_110 = arith.constant 0 : i32
      %dma_start3A_111 = tpu.memref_slice %arg3[%add3A, %dma_start3A_109, %dma_start3A_110] : memref<32x4x128xi32, #tpu.memory_space<hbm>> -> memref<1x4x128xi32, #tpu.memory_space<hbm>>
      %dma_start3A_112 = tpu.memref_squeeze %dma_start3A_111 : memref<1x4x128xi32, #tpu.memory_space<hbm>> -> memref<4x128xi32, #tpu.memory_space<hbm>>
      %dma_start3A_113 = arith.constant 0 : i32
      %dma_start3A_114 = arith.constant 0 : i32
      %dma_start3A_115 = tpu.memref_slice %arg3[%add3A, %dma_start3A_113, %dma_start3A_114] : memref<32x4x128xi32, #tpu.memory_space<hbm>> -> memref<1x4x128xi32, #tpu.memory_space<hbm>>
      %dma_start3A_116 = tpu.memref_squeeze %dma_start3A_115 : memref<1x4x128xi32, #tpu.memory_space<hbm>> -> memref<4x128xi32, #tpu.memory_space<hbm>>
      tpu.enqueue_dma source(%dma_start3A_116 : memref<4x128xi32, #tpu.memory_space<hbm>>) target(%arg5 : memref<4x128xi32, #tpu.memory_space<vmem>>) target_semaphore(%run_scoped3A_108 : memref<!tpu.dma_semaphore, #tpu.memory_space<semaphore_mem>>)
      %dma_wait3A_117 = arith.constant 0 : i32
      %dma_wait3A_118 = arith.constant 0 : i32
      %dma_wait3A_119 = tpu.memref_slice %arg3[%add3A, %dma_wait3A_117, %dma_wait3A_118] : memref<32x4x128xi32, #tpu.memory_space<hbm>> -> memref<1x4x128xi32, #tpu.memory_space<hbm>>
      %dma_wait3A_120 = tpu.memref_squeeze %dma_wait3A_119 : memref<1x4x128xi32, #tpu.memory_space<hbm>> -> memref<4x128xi32, #tpu.memory_space<hbm>>
      %dma_wait3A_121 = arith.constant 0 : i32
      %dma_wait3A_122 = arith.constant 0 : i32
      %dma_wait3A_123 = tpu.memref_slice %arg3[%add3A, %dma_wait3A_121, %dma_wait3A_122] : memref<32x4x128xi32, #tpu.memory_space<hbm>> -> memref<1x4x128xi32, #tpu.memory_space<hbm>>
      %dma_wait3A_124 = tpu.memref_squeeze %dma_wait3A_123 : memref<1x4x128xi32, #tpu.memory_space<hbm>> -> memref<4x128xi32, #tpu.memory_space<hbm>>
      tpu.wait_dma2 semaphore(%run_scoped3A_108 : memref<!tpu.dma_semaphore, #tpu.memory_space<semaphore_mem>>) src(%dma_wait3A_124 : memref<4x128xi32, #tpu.memory_space<hbm>>) dst(%arg5 : memref<4x128xi32, #tpu.memory_space<vmem>>)
      tpu.yield
    }) : () -> ()
    %dma_start3A = arith.constant 0 : i32
    %dma_start3A_3 = arith.constant 0 : i32
    %dma_start3A_4 = arith.constant 0 : i32
    %dma_start3A_5 = arith.constant 0 : i32
    %dma_start3A_6 = tpu.memref_slice %arg6[%dma_start3A_3, %dma_start3A_4, %dma_start3A_5] : memref<4x128x128xi32, #tpu.memory_space<vmem>> -> memref<1x128x128xi32, #tpu.memory_space<vmem>>
    %dma_start3A_7 = tpu.memref_squeeze %dma_start3A_6 : memref<1x128x128xi32, #tpu.memory_space<vmem>> -> memref<128x128xi32, #tpu.memory_space<vmem>>
    %dma_start3A_8 = arith.constant 0 : i32
    %dma_start3A_9 = tpu.memref_slice %arg5[%dma_start3A, %dma_start3A_8] : memref<4x128xi32, #tpu.memory_space<vmem>> -> memref<1x128xi32, #tpu.memory_space<vmem>>
    %dma_start3A_10 = tpu.memref_squeeze %dma_start3A_9 : memref<1x128xi32, #tpu.memory_space<vmem>> -> memref<128xi32, #tpu.memory_space<vmem>>
    %dma_start3A_11 = arith.constant 0 : i32
    %dma_start3A_12 = arith.constant 0 : i32
    %dma_start3A_13 = tpu.memref_slice %arg2[%dma_start3A_11, %dma_start3A_12] : memref<128000x128xi32, #tpu.memory_space<hbm>> -> memref<128000x128xi32, #tpu.memory_space<hbm>>
    tpu.enqueue_indirect_dma source(%dma_start3A_13 : memref<128000x128xi32, #tpu.memory_space<hbm>>) target(%dma_start3A_7 : memref<128x128xi32, #tpu.memory_space<vmem>>) offsets(%dma_start3A_10 : memref<128xi32, #tpu.memory_space<vmem>>) semaphore(%arg7 : memref<!tpu.dma_semaphore, #tpu.memory_space<semaphore_mem>>)
    %dma_start3A_14 = arith.constant 1 : i32
    %dma_start3A_15 = arith.constant 1 : i32
    %dma_start3A_16 = arith.constant 0 : i32
    %dma_start3A_17 = arith.constant 0 : i32
    %dma_start3A_18 = tpu.memref_slice %arg6[%dma_start3A_15, %dma_start3A_16, %dma_start3A_17] : memref<4x128x128xi32, #tpu.memory_space<vmem>> -> memref<1x128x128xi32, #tpu.memory_space<vmem>>
    %dma_start3A_19 = tpu.memref_squeeze %dma_start3A_18 : memref<1x128x128xi32, #tpu.memory_space<vmem>> -> memref<128x128xi32, #tpu.memory_space<vmem>>
    %dma_start3A_20 = arith.constant 0 : i32
    %dma_start3A_21 = tpu.memref_slice %arg5[%dma_start3A_14, %dma_start3A_20] : memref<4x128xi32, #tpu.memory_space<vmem>> -> memref<1x128xi32, #tpu.memory_space<vmem>>
    %dma_start3A_22 = tpu.memref_squeeze %dma_start3A_21 : memref<1x128xi32, #tpu.memory_space<vmem>> -> memref<128xi32, #tpu.memory_space<vmem>>
    %dma_start3A_23 = arith.constant 0 : i32
    %dma_start3A_24 = arith.constant 0 : i32
    %dma_start3A_25 = tpu.memref_slice %arg2[%dma_start3A_23, %dma_start3A_24] : memref<128000x128xi32, #tpu.memory_space<hbm>> -> memref<128000x128xi32, #tpu.memory_space<hbm>>
    tpu.enqueue_indirect_dma source(%dma_start3A_25 : memref<128000x128xi32, #tpu.memory_space<hbm>>) target(%dma_start3A_19 : memref<128x128xi32, #tpu.memory_space<vmem>>) offsets(%dma_start3A_22 : memref<128xi32, #tpu.memory_space<vmem>>) semaphore(%arg7 : memref<!tpu.dma_semaphore, #tpu.memory_space<semaphore_mem>>)
    %dma_start3A_26 = arith.constant 2 : i32
    %dma_start3A_27 = arith.constant 2 : i32
    %dma_start3A_28 = arith.constant 0 : i32
    %dma_start3A_29 = arith.constant 0 : i32
    %dma_start3A_30 = tpu.memref_slice %arg6[%dma_start3A_27, %dma_start3A_28, %dma_start3A_29] : memref<4x128x128xi32, #tpu.memory_space<vmem>> -> memref<1x128x128xi32, #tpu.memory_space<vmem>>
    %dma_start3A_31 = tpu.memref_squeeze %dma_start3A_30 : memref<1x128x128xi32, #tpu.memory_space<vmem>> -> memref<128x128xi32, #tpu.memory_space<vmem>>
    %dma_start3A_32 = arith.constant 0 : i32
    %dma_start3A_33 = tpu.memref_slice %arg5[%dma_start3A_26, %dma_start3A_32] : memref<4x128xi32, #tpu.memory_space<vmem>> -> memref<1x128xi32, #tpu.memory_space<vmem>>
    %dma_start3A_34 = tpu.memref_squeeze %dma_start3A_33 : memref<1x128xi32, #tpu.memory_space<vmem>> -> memref<128xi32, #tpu.memory_space<vmem>>
    %dma_start3A_35 = arith.constant 0 : i32
    %dma_start3A_36 = arith.constant 0 : i32
    %dma_start3A_37 = tpu.memref_slice %arg2[%dma_start3A_35, %dma_start3A_36] : memref<128000x128xi32, #tpu.memory_space<hbm>> -> memref<128000x128xi32, #tpu.memory_space<hbm>>
    tpu.enqueue_indirect_dma source(%dma_start3A_37 : memref<128000x128xi32, #tpu.memory_space<hbm>>) target(%dma_start3A_31 : memref<128x128xi32, #tpu.memory_space<vmem>>) offsets(%dma_start3A_34 : memref<128xi32, #tpu.memory_space<vmem>>) semaphore(%arg7 : memref<!tpu.dma_semaphore, #tpu.memory_space<semaphore_mem>>)
    %dma_start3A_38 = arith.constant 3 : i32
    %dma_start3A_39 = arith.constant 3 : i32
    %dma_start3A_40 = arith.constant 0 : i32
    %dma_start3A_41 = arith.constant 0 : i32
    %dma_start3A_42 = tpu.memref_slice %arg6[%dma_start3A_39, %dma_start3A_40, %dma_start3A_41] : memref<4x128x128xi32, #tpu.memory_space<vmem>> -> memref<1x128x128xi32, #tpu.memory_space<vmem>>
    %dma_start3A_43 = tpu.memref_squeeze %dma_start3A_42 : memref<1x128x128xi32, #tpu.memory_space<vmem>> -> memref<128x128xi32, #tpu.memory_space<vmem>>
    %dma_start3A_44 = arith.constant 0 : i32
    %dma_start3A_45 = tpu.memref_slice %arg5[%dma_start3A_38, %dma_start3A_44] : memref<4x128xi32, #tpu.memory_space<vmem>> -> memref<1x128xi32, #tpu.memory_space<vmem>>
    %dma_start3A_46 = tpu.memref_squeeze %dma_start3A_45 : memref<1x128xi32, #tpu.memory_space<vmem>> -> memref<128xi32, #tpu.memory_space<vmem>>
    %dma_start3A_47 = arith.constant 0 : i32
    %dma_start3A_48 = arith.constant 0 : i32
    %dma_start3A_49 = tpu.memref_slice %arg2[%dma_start3A_47, %dma_start3A_48] : memref<128000x128xi32, #tpu.memory_space<hbm>> -> memref<128000x128xi32, #tpu.memory_space<hbm>>
    tpu.enqueue_indirect_dma source(%dma_start3A_49 : memref<128000x128xi32, #tpu.memory_space<hbm>>) target(%dma_start3A_43 : memref<128x128xi32, #tpu.memory_space<vmem>>) offsets(%dma_start3A_46 : memref<128xi32, #tpu.memory_space<vmem>>) semaphore(%arg7 : memref<!tpu.dma_semaphore, #tpu.memory_space<semaphore_mem>>)
    %dma_wait3A = arith.constant 0 : i32
    %dma_wait3A_50 = arith.constant 0 : i32
    %dma_wait3A_51 = arith.constant 0 : i32
    %dma_wait3A_52 = arith.constant 0 : i32
    %dma_wait3A_53 = tpu.memref_slice %arg6[%dma_wait3A_50, %dma_wait3A_51, %dma_wait3A_52] : memref<4x128x128xi32, #tpu.memory_space<vmem>> -> memref<1x128x128xi32, #tpu.memory_space<vmem>>
    %dma_wait3A_54 = tpu.memref_squeeze %dma_wait3A_53 : memref<1x128x128xi32, #tpu.memory_space<vmem>> -> memref<128x128xi32, #tpu.memory_space<vmem>>
    %dma_wait3A_55 = arith.constant 0 : i32
    %dma_wait3A_56 = tpu.memref_slice %arg5[%dma_wait3A, %dma_wait3A_55] : memref<4x128xi32, #tpu.memory_space<vmem>> -> memref<1x128xi32, #tpu.memory_space<vmem>>
    %dma_wait3A_57 = tpu.memref_squeeze %dma_wait3A_56 : memref<1x128xi32, #tpu.memory_space<vmem>> -> memref<128xi32, #tpu.memory_space<vmem>>
    %dma_wait3A_58 = arith.constant 0 : i32
    %dma_wait3A_59 = arith.constant 0 : i32
    %dma_wait3A_60 = tpu.memref_slice %arg2[%dma_wait3A_58, %dma_wait3A_59] : memref<128000x128xi32, #tpu.memory_space<hbm>> -> memref<128000x128xi32, #tpu.memory_space<hbm>>
    tpu.wait_indirect_dma semaphore(%arg7 : memref<!tpu.dma_semaphore, #tpu.memory_space<semaphore_mem>>) src(%dma_wait3A_60 : memref<128000x128xi32, #tpu.memory_space<hbm>>) dst(%dma_wait3A_54 : memref<128x128xi32, #tpu.memory_space<vmem>>)
    %dma_wait3A_61 = arith.constant 1 : i32
    %dma_wait3A_62 = arith.constant 1 : i32
    %dma_wait3A_63 = arith.constant 0 : i32
    %dma_wait3A_64 = arith.constant 0 : i32
    %dma_wait3A_65 = tpu.memref_slice %arg6[%dma_wait3A_62, %dma_wait3A_63, %dma_wait3A_64] : memref<4x128x128xi32, #tpu.memory_space<vmem>> -> memref<1x128x128xi32, #tpu.memory_space<vmem>>
    %dma_wait3A_66 = tpu.memref_squeeze %dma_wait3A_65 : memref<1x128x128xi32, #tpu.memory_space<vmem>> -> memref<128x128xi32, #tpu.memory_space<vmem>>
    %dma_wait3A_67 = arith.constant 0 : i32
    %dma_wait3A_68 = tpu.memref_slice %arg5[%dma_wait3A_61, %dma_wait3A_67] : memref<4x128xi32, #tpu.memory_space<vmem>> -> memref<1x128xi32, #tpu.memory_space<vmem>>
    %dma_wait3A_69 = tpu.memref_squeeze %dma_wait3A_68 : memref<1x128xi32, #tpu.memory_space<vmem>> -> memref<128xi32, #tpu.memory_space<vmem>>
    %dma_wait3A_70 = arith.constant 0 : i32
    %dma_wait3A_71 = arith.constant 0 : i32
    %dma_wait3A_72 = tpu.memref_slice %arg2[%dma_wait3A_70, %dma_wait3A_71] : memref<128000x128xi32, #tpu.memory_space<hbm>> -> memref<128000x128xi32, #tpu.memory_space<hbm>>
    tpu.wait_indirect_dma semaphore(%arg7 : memref<!tpu.dma_semaphore, #tpu.memory_space<semaphore_mem>>) src(%dma_wait3A_72 : memref<128000x128xi32, #tpu.memory_space<hbm>>) dst(%dma_wait3A_66 : memref<128x128xi32, #tpu.memory_space<vmem>>)
    %dma_wait3A_73 = arith.constant 2 : i32
    %dma_wait3A_74 = arith.constant 2 : i32
    %dma_wait3A_75 = arith.constant 0 : i32
    %dma_wait3A_76 = arith.constant 0 : i32
    %dma_wait3A_77 = tpu.memref_slice %arg6[%dma_wait3A_74, %dma_wait3A_75, %dma_wait3A_76] : memref<4x128x128xi32, #tpu.memory_space<vmem>> -> memref<1x128x128xi32, #tpu.memory_space<vmem>>
    %dma_wait3A_78 = tpu.memref_squeeze %dma_wait3A_77 : memref<1x128x128xi32, #tpu.memory_space<vmem>> -> memref<128x128xi32, #tpu.memory_space<vmem>>
    %dma_wait3A_79 = arith.constant 0 : i32
    %dma_wait3A_80 = tpu.memref_slice %arg5[%dma_wait3A_73, %dma_wait3A_79] : memref<4x128xi32, #tpu.memory_space<vmem>> -> memref<1x128xi32, #tpu.memory_space<vmem>>
    %dma_wait3A_81 = tpu.memref_squeeze %dma_wait3A_80 : memref<1x128xi32, #tpu.memory_space<vmem>> -> memref<128xi32, #tpu.memory_space<vmem>>
    %dma_wait3A_82 = arith.constant 0 : i32
    %dma_wait3A_83 = arith.constant 0 : i32
    %dma_wait3A_84 = tpu.memref_slice %arg2[%dma_wait3A_82, %dma_wait3A_83] : memref<128000x128xi32, #tpu.memory_space<hbm>> -> memref<128000x128xi32, #tpu.memory_space<hbm>>
    tpu.wait_indirect_dma semaphore(%arg7 : memref<!tpu.dma_semaphore, #tpu.memory_space<semaphore_mem>>) src(%dma_wait3A_84 : memref<128000x128xi32, #tpu.memory_space<hbm>>) dst(%dma_wait3A_78 : memref<128x128xi32, #tpu.memory_space<vmem>>)
    %dma_wait3A_85 = arith.constant 3 : i32
    %dma_wait3A_86 = arith.constant 3 : i32
    %dma_wait3A_87 = arith.constant 0 : i32
    %dma_wait3A_88 = arith.constant 0 : i32
    %dma_wait3A_89 = tpu.memref_slice %arg6[%dma_wait3A_86, %dma_wait3A_87, %dma_wait3A_88] : memref<4x128x128xi32, #tpu.memory_space<vmem>> -> memref<1x128x128xi32, #tpu.memory_space<vmem>>
    %dma_wait3A_90 = tpu.memref_squeeze %dma_wait3A_89 : memref<1x128x128xi32, #tpu.memory_space<vmem>> -> memref<128x128xi32, #tpu.memory_space<vmem>>
    %dma_wait3A_91 = arith.constant 0 : i32
    %dma_wait3A_92 = tpu.memref_slice %arg5[%dma_wait3A_85, %dma_wait3A_91] : memref<4x128xi32, #tpu.memory_space<vmem>> -> memref<1x128xi32, #tpu.memory_space<vmem>>
    %dma_wait3A_93 = tpu.memref_squeeze %dma_wait3A_92 : memref<1x128xi32, #tpu.memory_space<vmem>> -> memref<128xi32, #tpu.memory_space<vmem>>
    %dma_wait3A_94 = arith.constant 0 : i32
    %dma_wait3A_95 = arith.constant 0 : i32
    %dma_wait3A_96 = tpu.memref_slice %arg2[%dma_wait3A_94, %dma_wait3A_95] : memref<128000x128xi32, #tpu.memory_space<hbm>> -> memref<128000x128xi32, #tpu.memory_space<hbm>>
    tpu.wait_indirect_dma semaphore(%arg7 : memref<!tpu.dma_semaphore, #tpu.memory_space<semaphore_mem>>) src(%dma_wait3A_96 : memref<128000x128xi32, #tpu.memory_space<hbm>>) dst(%dma_wait3A_90 : memref<128x128xi32, #tpu.memory_space<vmem>>)
    %add3A_97 = arith.constant 0 : i32
    %add3A_98 = arith.addi %mul3A_2, %add3A_97 : i32
    %run_scoped3A = arith.constant 0 : i32
    "tpu.region"() ({
      %run_scoped3A_108 = tpu.sem_alloc : memref<!tpu.dma_semaphore, #tpu.memory_space<semaphore_mem>>
      %dma_start3A_109 = arith.constant 0 : i32
      %dma_start3A_110 = arith.constant 0 : i32
      %dma_start3A_111 = tpu.memref_slice %arg6[%run_scoped3A, %dma_start3A_109, %dma_start3A_110] : memref<4x128x128xi32, #tpu.memory_space<vmem>> -> memref<1x128x128xi32, #tpu.memory_space<vmem>>
      %dma_start3A_112 = tpu.memref_squeeze %dma_start3A_111 : memref<1x128x128xi32, #tpu.memory_space<vmem>> -> memref<128x128xi32, #tpu.memory_space<vmem>>
      %dma_start3A_113 = arith.constant 0 : i32
      %dma_start3A_114 = tpu.memref_slice %arg4[%add3A_98, %dma_start3A_113] : memref<16384x128xi32, #tpu.memory_space<hbm>> -> memref<128x128xi32, #tpu.memory_space<hbm>>
      %dma_start3A_115 = arith.constant 0 : i32
      %dma_start3A_116 = tpu.memref_slice %arg4[%add3A_98, %dma_start3A_115] : memref<16384x128xi32, #tpu.memory_space<hbm>> -> memref<128x128xi32, #tpu.memory_space<hbm>>
      %dma_start3A_117 = arith.constant 0 : i32
      %dma_start3A_118 = arith.constant 0 : i32
      %dma_start3A_119 = tpu.memref_slice %arg6[%run_scoped3A, %dma_start3A_117, %dma_start3A_118] : memref<4x128x128xi32, #tpu.memory_space<vmem>> -> memref<1x128x128xi32, #tpu.memory_space<vmem>>
      %dma_start3A_120 = tpu.memref_squeeze %dma_start3A_119 : memref<1x128x128xi32, #tpu.memory_space<vmem>> -> memref<128x128xi32, #tpu.memory_space<vmem>>
      tpu.enqueue_dma source(%dma_start3A_120 : memref<128x128xi32, #tpu.memory_space<vmem>>) target(%dma_start3A_116 : memref<128x128xi32, #tpu.memory_space<hbm>>) target_semaphore(%run_scoped3A_108 : memref<!tpu.dma_semaphore, #tpu.memory_space<semaphore_mem>>)
      %dma_wait3A_121 = arith.constant 0 : i32
      %dma_wait3A_122 = arith.constant 0 : i32
      %dma_wait3A_123 = tpu.memref_slice %arg6[%run_scoped3A, %dma_wait3A_121, %dma_wait3A_122] : memref<4x128x128xi32, #tpu.memory_space<vmem>> -> memref<1x128x128xi32, #tpu.memory_space<vmem>>
      %dma_wait3A_124 = tpu.memref_squeeze %dma_wait3A_123 : memref<1x128x128xi32, #tpu.memory_space<vmem>> -> memref<128x128xi32, #tpu.memory_space<vmem>>
      %dma_wait3A_125 = arith.constant 0 : i32
      %dma_wait3A_126 = tpu.memref_slice %arg4[%add3A_98, %dma_wait3A_125] : memref<16384x128xi32, #tpu.memory_space<hbm>> -> memref<128x128xi32, #tpu.memory_space<hbm>>
      %dma_wait3A_127 = arith.constant 0 : i32
      %dma_wait3A_128 = tpu.memref_slice %arg4[%add3A_98, %dma_wait3A_127] : memref<16384x128xi32, #tpu.memory_space<hbm>> -> memref<128x128xi32, #tpu.memory_space<hbm>>
      %dma_wait3A_129 = arith.constant 0 : i32
      %dma_wait3A_130 = arith.constant 0 : i32
      %dma_wait3A_131 = tpu.memref_slice %arg6[%run_scoped3A, %dma_wait3A_129, %dma_wait3A_130] : memref<4x128x128xi32, #tpu.memory_space<vmem>> -> memref<1x128x128xi32, #tpu.memory_space<vmem>>
      %dma_wait3A_132 = tpu.memref_squeeze %dma_wait3A_131 : memref<1x128x128xi32, #tpu.memory_space<vmem>> -> memref<128x128xi32, #tpu.memory_space<vmem>>
      tpu.wait_dma2 semaphore(%run_scoped3A_108 : memref<!tpu.dma_semaphore, #tpu.memory_space<semaphore_mem>>) src(%dma_wait3A_132 : memref<128x128xi32, #tpu.memory_space<vmem>>) dst(%dma_wait3A_128 : memref<128x128xi32, #tpu.memory_space<hbm>>)
      tpu.yield
    }) : () -> ()
    %add3A_99 = arith.constant 128 : i32
    %add3A_100 = arith.addi %mul3A_2, %add3A_99 : i32
    %run_scoped3A_101 = arith.constant 1 : i32
    "tpu.region"() ({
      %run_scoped3A_108 = tpu.sem_alloc : memref<!tpu.dma_semaphore, #tpu.memory_space<semaphore_mem>>
      %dma_start3A_109 = arith.constant 0 : i32
      %dma_start3A_110 = arith.constant 0 : i32
      %dma_start3A_111 = tpu.memref_slice %arg6[%run_scoped3A_101, %dma_start3A_109, %dma_start3A_110] : memref<4x128x128xi32, #tpu.memory_space<vmem>> -> memref<1x128x128xi32, #tpu.memory_space<vmem>>
      %dma_start3A_112 = tpu.memref_squeeze %dma_start3A_111 : memref<1x128x128xi32, #tpu.memory_space<vmem>> -> memref<128x128xi32, #tpu.memory_space<vmem>>
      %dma_start3A_113 = arith.constant 0 : i32
      %dma_start3A_114 = tpu.memref_slice %arg4[%add3A_100, %dma_start3A_113] : memref<16384x128xi32, #tpu.memory_space<hbm>> -> memref<128x128xi32, #tpu.memory_space<hbm>>
      %dma_start3A_115 = arith.constant 0 : i32
      %dma_start3A_116 = tpu.memref_slice %arg4[%add3A_100, %dma_start3A_115] : memref<16384x128xi32, #tpu.memory_space<hbm>> -> memref<128x128xi32, #tpu.memory_space<hbm>>
      %dma_start3A_117 = arith.constant 0 : i32
      %dma_start3A_118 = arith.constant 0 : i32
      %dma_start3A_119 = tpu.memref_slice %arg6[%run_scoped3A_101, %dma_start3A_117, %dma_start3A_118] : memref<4x128x128xi32, #tpu.memory_space<vmem>> -> memref<1x128x128xi32, #tpu.memory_space<vmem>>
      %dma_start3A_120 = tpu.memref_squeeze %dma_start3A_119 : memref<1x128x128xi32, #tpu.memory_space<vmem>> -> memref<128x128xi32, #tpu.memory_space<vmem>>
      tpu.enqueue_dma source(%dma_start3A_120 : memref<128x128xi32, #tpu.memory_space<vmem>>) target(%dma_start3A_116 : memref<128x128xi32, #tpu.memory_space<hbm>>) target_semaphore(%run_scoped3A_108 : memref<!tpu.dma_semaphore, #tpu.memory_space<semaphore_mem>>)
      %dma_wait3A_121 = arith.constant 0 : i32
      %dma_wait3A_122 = arith.constant 0 : i32
      %dma_wait3A_123 = tpu.memref_slice %arg6[%run_scoped3A_101, %dma_wait3A_121, %dma_wait3A_122] : memref<4x128x128xi32, #tpu.memory_space<vmem>> -> memref<1x128x128xi32, #tpu.memory_space<vmem>>
      %dma_wait3A_124 = tpu.memref_squeeze %dma_wait3A_123 : memref<1x128x128xi32, #tpu.memory_space<vmem>> -> memref<128x128xi32, #tpu.memory_space<vmem>>
      %dma_wait3A_125 = arith.constant 0 : i32
      %dma_wait3A_126 = tpu.memref_slice %arg4[%add3A_100, %dma_wait3A_125] : memref<16384x128xi32, #tpu.memory_space<hbm>> -> memref<128x128xi32, #tpu.memory_space<hbm>>
      %dma_wait3A_127 = arith.constant 0 : i32
      %dma_wait3A_128 = tpu.memref_slice %arg4[%add3A_100, %dma_wait3A_127] : memref<16384x128xi32, #tpu.memory_space<hbm>> -> memref<128x128xi32, #tpu.memory_space<hbm>>
      %dma_wait3A_129 = arith.constant 0 : i32
      %dma_wait3A_130 = arith.constant 0 : i32
      %dma_wait3A_131 = tpu.memref_slice %arg6[%run_scoped3A_101, %dma_wait3A_129, %dma_wait3A_130] : memref<4x128x128xi32, #tpu.memory_space<vmem>> -> memref<1x128x128xi32, #tpu.memory_space<vmem>>
      %dma_wait3A_132 = tpu.memref_squeeze %dma_wait3A_131 : memref<1x128x128xi32, #tpu.memory_space<vmem>> -> memref<128x128xi32, #tpu.memory_space<vmem>>
      tpu.wait_dma2 semaphore(%run_scoped3A_108 : memref<!tpu.dma_semaphore, #tpu.memory_space<semaphore_mem>>) src(%dma_wait3A_132 : memref<128x128xi32, #tpu.memory_space<vmem>>) dst(%dma_wait3A_128 : memref<128x128xi32, #tpu.memory_space<hbm>>)
      tpu.yield
    }) : () -> ()
    %add3A_102 = arith.constant 256 : i32
    %add3A_103 = arith.addi %mul3A_2, %add3A_102 : i32
    %run_scoped3A_104 = arith.constant 2 : i32
    "tpu.region"() ({
      %run_scoped3A_108 = tpu.sem_alloc : memref<!tpu.dma_semaphore, #tpu.memory_space<semaphore_mem>>
      %dma_start3A_109 = arith.constant 0 : i32
      %dma_start3A_110 = arith.constant 0 : i32
      %dma_start3A_111 = tpu.memref_slice %arg6[%run_scoped3A_104, %dma_start3A_109, %dma_start3A_110] : memref<4x128x128xi32, #tpu.memory_space<vmem>> -> memref<1x128x128xi32, #tpu.memory_space<vmem>>
      %dma_start3A_112 = tpu.memref_squeeze %dma_start3A_111 : memref<1x128x128xi32, #tpu.memory_space<vmem>> -> memref<128x128xi32, #tpu.memory_space<vmem>>
      %dma_start3A_113 = arith.constant 0 : i32
      %dma_start3A_114 = tpu.memref_slice %arg4[%add3A_103, %dma_start3A_113] : memref<16384x128xi32, #tpu.memory_space<hbm>> -> memref<128x128xi32, #tpu.memory_space<hbm>>
      %dma_start3A_115 = arith.constant 0 : i32
      %dma_start3A_116 = tpu.memref_slice %arg4[%add3A_103, %dma_start3A_115] : memref<16384x128xi32, #tpu.memory_space<hbm>> -> memref<128x128xi32, #tpu.memory_space<hbm>>
      %dma_start3A_117 = arith.constant 0 : i32
      %dma_start3A_118 = arith.constant 0 : i32
      %dma_start3A_119 = tpu.memref_slice %arg6[%run_scoped3A_104, %dma_start3A_117, %dma_start3A_118] : memref<4x128x128xi32, #tpu.memory_space<vmem>> -> memref<1x128x128xi32, #tpu.memory_space<vmem>>
      %dma_start3A_120 = tpu.memref_squeeze %dma_start3A_119 : memref<1x128x128xi32, #tpu.memory_space<vmem>> -> memref<128x128xi32, #tpu.memory_space<vmem>>
      tpu.enqueue_dma source(%dma_start3A_120 : memref<128x128xi32, #tpu.memory_space<vmem>>) target(%dma_start3A_116 : memref<128x128xi32, #tpu.memory_space<hbm>>) target_semaphore(%run_scoped3A_108 : memref<!tpu.dma_semaphore, #tpu.memory_space<semaphore_mem>>)
      %dma_wait3A_121 = arith.constant 0 : i32
      %dma_wait3A_122 = arith.constant 0 : i32
      %dma_wait3A_123 = tpu.memref_slice %arg6[%run_scoped3A_104, %dma_wait3A_121, %dma_wait3A_122] : memref<4x128x128xi32, #tpu.memory_space<vmem>> -> memref<1x128x128xi32, #tpu.memory_space<vmem>>
      %dma_wait3A_124 = tpu.memref_squeeze %dma_wait3A_123 : memref<1x128x128xi32, #tpu.memory_space<vmem>> -> memref<128x128xi32, #tpu.memory_space<vmem>>
      %dma_wait3A_125 = arith.constant 0 : i32
      %dma_wait3A_126 = tpu.memref_slice %arg4[%add3A_103, %dma_wait3A_125] : memref<16384x128xi32, #tpu.memory_space<hbm>> -> memref<128x128xi32, #tpu.memory_space<hbm>>
      %dma_wait3A_127 = arith.constant 0 : i32
      %dma_wait3A_128 = tpu.memref_slice %arg4[%add3A_103, %dma_wait3A_127] : memref<16384x128xi32, #tpu.memory_space<hbm>> -> memref<128x128xi32, #tpu.memory_space<hbm>>
      %dma_wait3A_129 = arith.constant 0 : i32
      %dma_wait3A_130 = arith.constant 0 : i32
      %dma_wait3A_131 = tpu.memref_slice %arg6[%run_scoped3A_104, %dma_wait3A_129, %dma_wait3A_130] : memref<4x128x128xi32, #tpu.memory_space<vmem>> -> memref<1x128x128xi32, #tpu.memory_space<vmem>>
      %dma_wait3A_132 = tpu.memref_squeeze %dma_wait3A_131 : memref<1x128x128xi32, #tpu.memory_space<vmem>> -> memref<128x128xi32, #tpu.memory_space<vmem>>
      tpu.wait_dma2 semaphore(%run_scoped3A_108 : memref<!tpu.dma_semaphore, #tpu.memory_space<semaphore_mem>>) src(%dma_wait3A_132 : memref<128x128xi32, #tpu.memory_space<vmem>>) dst(%dma_wait3A_128 : memref<128x128xi32, #tpu.memory_space<hbm>>)
      tpu.yield
    }) : () -> ()
    %add3A_105 = arith.constant 384 : i32
    %add3A_106 = arith.addi %mul3A_2, %add3A_105 : i32
    %run_scoped3A_107 = arith.constant 3 : i32
    "tpu.region"() ({
      %run_scoped3A_108 = tpu.sem_alloc : memref<!tpu.dma_semaphore, #tpu.memory_space<semaphore_mem>>
      %dma_start3A_109 = arith.constant 0 : i32
      %dma_start3A_110 = arith.constant 0 : i32
      %dma_start3A_111 = tpu.memref_slice %arg6[%run_scoped3A_107, %dma_start3A_109, %dma_start3A_110] : memref<4x128x128xi32, #tpu.memory_space<vmem>> -> memref<1x128x128xi32, #tpu.memory_space<vmem>>
      %dma_start3A_112 = tpu.memref_squeeze %dma_start3A_111 : memref<1x128x128xi32, #tpu.memory_space<vmem>> -> memref<128x128xi32, #tpu.memory_space<vmem>>
      %dma_start3A_113 = arith.constant 0 : i32
      %dma_start3A_114 = tpu.memref_slice %arg4[%add3A_106, %dma_start3A_113] : memref<16384x128xi32, #tpu.memory_space<hbm>> -> memref<128x128xi32, #tpu.memory_space<hbm>>
      %dma_start3A_115 = arith.constant 0 : i32
      %dma_start3A_116 = tpu.memref_slice %arg4[%add3A_106, %dma_start3A_115] : memref<16384x128xi32, #tpu.memory_space<hbm>> -> memref<128x128xi32, #tpu.memory_space<hbm>>
      %dma_start3A_117 = arith.constant 0 : i32
      %dma_start3A_118 = arith.constant 0 : i32
      %dma_start3A_119 = tpu.memref_slice %arg6[%run_scoped3A_107, %dma_start3A_117, %dma_start3A_118] : memref<4x128x128xi32, #tpu.memory_space<vmem>> -> memref<1x128x128xi32, #tpu.memory_space<vmem>>
      %dma_start3A_120 = tpu.memref_squeeze %dma_start3A_119 : memref<1x128x128xi32, #tpu.memory_space<vmem>> -> memref<128x128xi32, #tpu.memory_space<vmem>>
      tpu.enqueue_dma source(%dma_start3A_120 : memref<128x128xi32, #tpu.memory_space<vmem>>) target(%dma_start3A_116 : memref<128x128xi32, #tpu.memory_space<hbm>>) target_semaphore(%run_scoped3A_108 : memref<!tpu.dma_semaphore, #tpu.memory_space<semaphore_mem>>)
      %dma_wait3A_121 = arith.constant 0 : i32
      %dma_wait3A_122 = arith.constant 0 : i32
      %dma_wait3A_123 = tpu.memref_slice %arg6[%run_scoped3A_107, %dma_wait3A_121, %dma_wait3A_122] : memref<4x128x128xi32, #tpu.memory_space<vmem>> -> memref<1x128x128xi32, #tpu.memory_space<vmem>>
      %dma_wait3A_124 = tpu.memref_squeeze %dma_wait3A_123 : memref<1x128x128xi32, #tpu.memory_space<vmem>> -> memref<128x128xi32, #tpu.memory_space<vmem>>
      %dma_wait3A_125 = arith.constant 0 : i32
      %dma_wait3A_126 = tpu.memref_slice %arg4[%add3A_106, %dma_wait3A_125] : memref<16384x128xi32, #tpu.memory_space<hbm>> -> memref<128x128xi32, #tpu.memory_space<hbm>>
      %dma_wait3A_127 = arith.constant 0 : i32
      %dma_wait3A_128 = tpu.memref_slice %arg4[%add3A_106, %dma_wait3A_127] : memref<16384x128xi32, #tpu.memory_space<hbm>> -> memref<128x128xi32, #tpu.memory_space<hbm>>
      %dma_wait3A_129 = arith.constant 0 : i32
      %dma_wait3A_130 = arith.constant 0 : i32
      %dma_wait3A_131 = tpu.memref_slice %arg6[%run_scoped3A_107, %dma_wait3A_129, %dma_wait3A_130] : memref<4x128x128xi32, #tpu.memory_space<vmem>> -> memref<1x128x128xi32, #tpu.memory_space<vmem>>
      %dma_wait3A_132 = tpu.memref_squeeze %dma_wait3A_131 : memref<1x128x128xi32, #tpu.memory_space<vmem>> -> memref<128x128xi32, #tpu.memory_space<vmem>>
      tpu.wait_dma2 semaphore(%run_scoped3A_108 : memref<!tpu.dma_semaphore, #tpu.memory_space<semaphore_mem>>) src(%dma_wait3A_132 : memref<128x128xi32, #tpu.memory_space<vmem>>) dst(%dma_wait3A_128 : memref<128x128xi32, #tpu.memory_space<hbm>>)
      tpu.yield
    }) : () -> ()
    return
  }
}

#map = affine_map<(d0, d1) -> (0, 0)>
#map1 = affine_map<(d0, d1) -> (0, 0, 0)>
module attributes {stable_mosaic.version = 14 : i64} {
  func.func @_gather_body(%arg0: i32, %arg1: i32, %arg2: memref<12800x128xi32, #tpu.memory_space<hbm>>, %arg3: memref<32x4x128xi32, #tpu.memory_space<hbm>>, %arg4: memref<16384x128xi32, #tpu.memory_space<hbm>>, %arg5: memref<4x128xi32, #tpu.memory_space<vmem>>, %arg6: memref<4x128x128xi32, #tpu.memory_space<vmem>>, %arg7: memref<!tpu.dma_semaphore, #tpu.memory_space<semaphore_mem>>) attributes {dimension_semantics = [#tpu.dimension_semantics<core_parallel>, #tpu.dimension_semantics<subcore_parallel>], iteration_bounds = array<i64: 2, 16>, scalar_prefetch = 0 : i64, scratch_operands = 3 : i64, tpu.core_type = #tpu.core_type<sc_vector_subcore>, window_params = [{transform_indices = #map}, {transform_indices = #map1}, {transform_indices = #map}]} {
    %mul3A = arith.constant 2 : i32
    %mul3A_0 = arith.muli %arg1, %mul3A : i32
    %add3A = arith.addi %mul3A_0, %arg0 : i32
    %mul3A_1 = arith.constant 512 : i32
    %mul3A_2 = arith.muli %add3A, %mul3A_1 : i32
    "tpu.region"() ({
      %run_scoped3A_108 = tpu.sem_alloc : memref<!tpu.dma_semaphore, #tpu.memory_space<semaphore_mem>>
      %dma_start3A_109 = arith.constant 0 : i32
      %dma_start3A_110 = arith.constant 0 : i32
      %dma_start3A_111 = tpu.memref_slice %arg3[%add3A, %dma_start3A_109, %dma_start3A_110] : memref<32x4x128xi32, #tpu.memory_space<hbm>> -> memref<1x4x128xi32, #tpu.memory_space<hbm>>
      %dma_start3A_112 = tpu.memref_squeeze %dma_start3A_111 : memref<1x4x128xi32, #tpu.memory_space<hbm>> -> memref<4x128xi32, #tpu.memory_space<hbm>>
      %dma_start3A_113 = arith.constant 0 : i32
      %dma_start3A_114 = arith.constant 0 : i32
      %dma_start3A_115 = tpu.memref_slice %arg3[%add3A, %dma_start3A_113, %dma_start3A_114] : memref<32x4x128xi32, #tpu.memory_space<hbm>> -> memref<1x4x128xi32, #tpu.memory_space<hbm>>
      %dma_start3A_116 = tpu.memref_squeeze %dma_start3A_115 : memref<1x4x128xi32, #tpu.memory_space<hbm>> -> memref<4x128xi32, #tpu.memory_space<hbm>>
      tpu.enqueue_dma source(%dma_start3A_116 : memref<4x128xi32, #tpu.memory_space<hbm>>) target(%arg5 : memref<4x128xi32, #tpu.memory_space<vmem>>) target_semaphore(%run_scoped3A_108 : memref<!tpu.dma_semaphore, #tpu.memory_space<semaphore_mem>>)
      %dma_wait3A_117 = arith.constant 0 : i32
      %dma_wait3A_118 = arith.constant 0 : i32
      %dma_wait3A_119 = tpu.memref_slice %arg3[%add3A, %dma_wait3A_117, %dma_wait3A_118] : memref<32x4x128xi32, #tpu.memory_space<hbm>> -> memref<1x4x128xi32, #tpu.memory_space<hbm>>
      %dma_wait3A_120 = tpu.memref_squeeze %dma_wait3A_119 : memref<1x4x128xi32, #tpu.memory_space<hbm>> -> memref<4x128xi32, #tpu.memory_space<hbm>>
      %dma_wait3A_121 = arith.constant 0 : i32
      %dma_wait3A_122 = arith.constant 0 : i32
      %dma_wait3A_123 = tpu.memref_slice %arg3[%add3A, %dma_wait3A_121, %dma_wait3A_122] : memref<32x4x128xi32, #tpu.memory_space<hbm>> -> memref<1x4x128xi32, #tpu.memory_space<hbm>>
      %dma_wait3A_124 = tpu.memref_squeeze %dma_wait3A_123 : memref<1x4x128xi32, #tpu.memory_space<hbm>> -> memref<4x128xi32, #tpu.memory_space<hbm>>
      tpu.wait_dma2 semaphore(%run_scoped3A_108 : memref<!tpu.dma_semaphore, #tpu.memory_space<semaphore_mem>>) src(%dma_wait3A_124 : memref<4x128xi32, #tpu.memory_space<hbm>>) dst(%arg5 : memref<4x128xi32, #tpu.memory_space<vmem>>)
      tpu.yield
    }) : () -> ()
    %dma_start3A = arith.constant 0 : i32
    %dma_start3A_3 = arith.constant 0 : i32
    %dma_start3A_4 = arith.constant 0 : i32
    %dma_start3A_5 = arith.constant 0 : i32
    %dma_start3A_6 = tpu.memref_slice %arg6[%dma_start3A_3, %dma_start3A_4, %dma_start3A_5] : memref<4x128x128xi32, #tpu.memory_space<vmem>> -> memref<1x128x128xi32, #tpu.memory_space<vmem>>
    %dma_start3A_7 = tpu.memref_squeeze %dma_start3A_6 : memref<1x128x128xi32, #tpu.memory_space<vmem>> -> memref<128x128xi32, #tpu.memory_space<vmem>>
    %dma_start3A_8 = arith.constant 0 : i32
    %dma_start3A_9 = tpu.memref_slice %arg5[%dma_start3A, %dma_start3A_8] : memref<4x128xi32, #tpu.memory_space<vmem>> -> memref<1x128xi32, #tpu.memory_space<vmem>>
    %dma_start3A_10 = tpu.memref_squeeze %dma_start3A_9 : memref<1x128xi32, #tpu.memory_space<vmem>> -> memref<128xi32, #tpu.memory_space<vmem>>
    %dma_start3A_11 = arith.constant 0 : i32
    %dma_start3A_12 = arith.constant 0 : i32
    %dma_start3A_13 = tpu.memref_slice %arg2[%dma_start3A_11, %dma_start3A_12] : memref<12800x128xi32, #tpu.memory_space<hbm>> -> memref<12800x128xi32, #tpu.memory_space<hbm>>
    tpu.enqueue_indirect_dma source(%dma_start3A_13 : memref<12800x128xi32, #tpu.memory_space<hbm>>) target(%dma_start3A_7 : memref<128x128xi32, #tpu.memory_space<vmem>>) offsets(%dma_start3A_10 : memref<128xi32, #tpu.memory_space<vmem>>) semaphore(%arg7 : memref<!tpu.dma_semaphore, #tpu.memory_space<semaphore_mem>>)
    %dma_start3A_14 = arith.constant 1 : i32
    %dma_start3A_15 = arith.constant 1 : i32
    %dma_start3A_16 = arith.constant 0 : i32
    %dma_start3A_17 = arith.constant 0 : i32
    %dma_start3A_18 = tpu.memref_slice %arg6[%dma_start3A_15, %dma_start3A_16, %dma_start3A_17] : memref<4x128x128xi32, #tpu.memory_space<vmem>> -> memref<1x128x128xi32, #tpu.memory_space<vmem>>
    %dma_start3A_19 = tpu.memref_squeeze %dma_start3A_18 : memref<1x128x128xi32, #tpu.memory_space<vmem>> -> memref<128x128xi32, #tpu.memory_space<vmem>>
    %dma_start3A_20 = arith.constant 0 : i32
    %dma_start3A_21 = tpu.memref_slice %arg5[%dma_start3A_14, %dma_start3A_20] : memref<4x128xi32, #tpu.memory_space<vmem>> -> memref<1x128xi32, #tpu.memory_space<vmem>>
    %dma_start3A_22 = tpu.memref_squeeze %dma_start3A_21 : memref<1x128xi32, #tpu.memory_space<vmem>> -> memref<128xi32, #tpu.memory_space<vmem>>
    %dma_start3A_23 = arith.constant 0 : i32
    %dma_start3A_24 = arith.constant 0 : i32
    %dma_start3A_25 = tpu.memref_slice %arg2[%dma_start3A_23, %dma_start3A_24] : memref<12800x128xi32, #tpu.memory_space<hbm>> -> memref<12800x128xi32, #tpu.memory_space<hbm>>
    tpu.enqueue_indirect_dma source(%dma_start3A_25 : memref<12800x128xi32, #tpu.memory_space<hbm>>) target(%dma_start3A_19 : memref<128x128xi32, #tpu.memory_space<vmem>>) offsets(%dma_start3A_22 : memref<128xi32, #tpu.memory_space<vmem>>) semaphore(%arg7 : memref<!tpu.dma_semaphore, #tpu.memory_space<semaphore_mem>>)
    %dma_start3A_26 = arith.constant 2 : i32
    %dma_start3A_27 = arith.constant 2 : i32
    %dma_start3A_28 = arith.constant 0 : i32
    %dma_start3A_29 = arith.constant 0 : i32
    %dma_start3A_30 = tpu.memref_slice %arg6[%dma_start3A_27, %dma_start3A_28, %dma_start3A_29] : memref<4x128x128xi32, #tpu.memory_space<vmem>> -> memref<1x128x128xi32, #tpu.memory_space<vmem>>
    %dma_start3A_31 = tpu.memref_squeeze %dma_start3A_30 : memref<1x128x128xi32, #tpu.memory_space<vmem>> -> memref<128x128xi32, #tpu.memory_space<vmem>>
    %dma_start3A_32 = arith.constant 0 : i32
    %dma_start3A_33 = tpu.memref_slice %arg5[%dma_start3A_26, %dma_start3A_32] : memref<4x128xi32, #tpu.memory_space<vmem>> -> memref<1x128xi32, #tpu.memory_space<vmem>>
    %dma_start3A_34 = tpu.memref_squeeze %dma_start3A_33 : memref<1x128xi32, #tpu.memory_space<vmem>> -> memref<128xi32, #tpu.memory_space<vmem>>
    %dma_start3A_35 = arith.constant 0 : i32
    %dma_start3A_36 = arith.constant 0 : i32
    %dma_start3A_37 = tpu.memref_slice %arg2[%dma_start3A_35, %dma_start3A_36] : memref<12800x128xi32, #tpu.memory_space<hbm>> -> memref<12800x128xi32, #tpu.memory_space<hbm>>
    tpu.enqueue_indirect_dma source(%dma_start3A_37 : memref<12800x128xi32, #tpu.memory_space<hbm>>) target(%dma_start3A_31 : memref<128x128xi32, #tpu.memory_space<vmem>>) offsets(%dma_start3A_34 : memref<128xi32, #tpu.memory_space<vmem>>) semaphore(%arg7 : memref<!tpu.dma_semaphore, #tpu.memory_space<semaphore_mem>>)
    %dma_start3A_38 = arith.constant 3 : i32
    %dma_start3A_39 = arith.constant 3 : i32
    %dma_start3A_40 = arith.constant 0 : i32
    %dma_start3A_41 = arith.constant 0 : i32
    %dma_start3A_42 = tpu.memref_slice %arg6[%dma_start3A_39, %dma_start3A_40, %dma_start3A_41] : memref<4x128x128xi32, #tpu.memory_space<vmem>> -> memref<1x128x128xi32, #tpu.memory_space<vmem>>
    %dma_start3A_43 = tpu.memref_squeeze %dma_start3A_42 : memref<1x128x128xi32, #tpu.memory_space<vmem>> -> memref<128x128xi32, #tpu.memory_space<vmem>>
    %dma_start3A_44 = arith.constant 0 : i32
    %dma_start3A_45 = tpu.memref_slice %arg5[%dma_start3A_38, %dma_start3A_44] : memref<4x128xi32, #tpu.memory_space<vmem>> -> memref<1x128xi32, #tpu.memory_space<vmem>>
    %dma_start3A_46 = tpu.memref_squeeze %dma_start3A_45 : memref<1x128xi32, #tpu.memory_space<vmem>> -> memref<128xi32, #tpu.memory_space<vmem>>
    %dma_start3A_47 = arith.constant 0 : i32
    %dma_start3A_48 = arith.constant 0 : i32
    %dma_start3A_49 = tpu.memref_slice %arg2[%dma_start3A_47, %dma_start3A_48] : memref<12800x128xi32, #tpu.memory_space<hbm>> -> memref<12800x128xi32, #tpu.memory_space<hbm>>
    tpu.enqueue_indirect_dma source(%dma_start3A_49 : memref<12800x128xi32, #tpu.memory_space<hbm>>) target(%dma_start3A_43 : memref<128x128xi32, #tpu.memory_space<vmem>>) offsets(%dma_start3A_46 : memref<128xi32, #tpu.memory_space<vmem>>) semaphore(%arg7 : memref<!tpu.dma_semaphore, #tpu.memory_space<semaphore_mem>>)
    %dma_wait3A = arith.constant 0 : i32
    %dma_wait3A_50 = arith.constant 0 : i32
    %dma_wait3A_51 = arith.constant 0 : i32
    %dma_wait3A_52 = arith.constant 0 : i32
    %dma_wait3A_53 = tpu.memref_slice %arg6[%dma_wait3A_50, %dma_wait3A_51, %dma_wait3A_52] : memref<4x128x128xi32, #tpu.memory_space<vmem>> -> memref<1x128x128xi32, #tpu.memory_space<vmem>>
    %dma_wait3A_54 = tpu.memref_squeeze %dma_wait3A_53 : memref<1x128x128xi32, #tpu.memory_space<vmem>> -> memref<128x128xi32, #tpu.memory_space<vmem>>
    %dma_wait3A_55 = arith.constant 0 : i32
    %dma_wait3A_56 = tpu.memref_slice %arg5[%dma_wait3A, %dma_wait3A_55] : memref<4x128xi32, #tpu.memory_space<vmem>> -> memref<1x128xi32, #tpu.memory_space<vmem>>
    %dma_wait3A_57 = tpu.memref_squeeze %dma_wait3A_56 : memref<1x128xi32, #tpu.memory_space<vmem>> -> memref<128xi32, #tpu.memory_space<vmem>>
    %dma_wait3A_58 = arith.constant 0 : i32
    %dma_wait3A_59 = arith.constant 0 : i32
    %dma_wait3A_60 = tpu.memref_slice %arg2[%dma_wait3A_58, %dma_wait3A_59] : memref<12800x128xi32, #tpu.memory_space<hbm>> -> memref<12800x128xi32, #tpu.memory_space<hbm>>
    tpu.wait_indirect_dma semaphore(%arg7 : memref<!tpu.dma_semaphore, #tpu.memory_space<semaphore_mem>>) src(%dma_wait3A_60 : memref<12800x128xi32, #tpu.memory_space<hbm>>) dst(%dma_wait3A_54 : memref<128x128xi32, #tpu.memory_space<vmem>>)
    %dma_wait3A_61 = arith.constant 1 : i32
    %dma_wait3A_62 = arith.constant 1 : i32
    %dma_wait3A_63 = arith.constant 0 : i32
    %dma_wait3A_64 = arith.constant 0 : i32
    %dma_wait3A_65 = tpu.memref_slice %arg6[%dma_wait3A_62, %dma_wait3A_63, %dma_wait3A_64] : memref<4x128x128xi32, #tpu.memory_space<vmem>> -> memref<1x128x128xi32, #tpu.memory_space<vmem>>
    %dma_wait3A_66 = tpu.memref_squeeze %dma_wait3A_65 : memref<1x128x128xi32, #tpu.memory_space<vmem>> -> memref<128x128xi32, #tpu.memory_space<vmem>>
    %dma_wait3A_67 = arith.constant 0 : i32
    %dma_wait3A_68 = tpu.memref_slice %arg5[%dma_wait3A_61, %dma_wait3A_67] : memref<4x128xi32, #tpu.memory_space<vmem>> -> memref<1x128xi32, #tpu.memory_space<vmem>>
    %dma_wait3A_69 = tpu.memref_squeeze %dma_wait3A_68 : memref<1x128xi32, #tpu.memory_space<vmem>> -> memref<128xi32, #tpu.memory_space<vmem>>
    %dma_wait3A_70 = arith.constant 0 : i32
    %dma_wait3A_71 = arith.constant 0 : i32
    %dma_wait3A_72 = tpu.memref_slice %arg2[%dma_wait3A_70, %dma_wait3A_71] : memref<12800x128xi32, #tpu.memory_space<hbm>> -> memref<12800x128xi32, #tpu.memory_space<hbm>>
    tpu.wait_indirect_dma semaphore(%arg7 : memref<!tpu.dma_semaphore, #tpu.memory_space<semaphore_mem>>) src(%dma_wait3A_72 : memref<12800x128xi32, #tpu.memory_space<hbm>>) dst(%dma_wait3A_66 : memref<128x128xi32, #tpu.memory_space<vmem>>)
    %dma_wait3A_73 = arith.constant 2 : i32
    %dma_wait3A_74 = arith.constant 2 : i32
    %dma_wait3A_75 = arith.constant 0 : i32
    %dma_wait3A_76 = arith.constant 0 : i32
    %dma_wait3A_77 = tpu.memref_slice %arg6[%dma_wait3A_74, %dma_wait3A_75, %dma_wait3A_76] : memref<4x128x128xi32, #tpu.memory_space<vmem>> -> memref<1x128x128xi32, #tpu.memory_space<vmem>>
    %dma_wait3A_78 = tpu.memref_squeeze %dma_wait3A_77 : memref<1x128x128xi32, #tpu.memory_space<vmem>> -> memref<128x128xi32, #tpu.memory_space<vmem>>
    %dma_wait3A_79 = arith.constant 0 : i32
    %dma_wait3A_80 = tpu.memref_slice %arg5[%dma_wait3A_73, %dma_wait3A_79] : memref<4x128xi32, #tpu.memory_space<vmem>> -> memref<1x128xi32, #tpu.memory_space<vmem>>
    %dma_wait3A_81 = tpu.memref_squeeze %dma_wait3A_80 : memref<1x128xi32, #tpu.memory_space<vmem>> -> memref<128xi32, #tpu.memory_space<vmem>>
    %dma_wait3A_82 = arith.constant 0 : i32
    %dma_wait3A_83 = arith.constant 0 : i32
    %dma_wait3A_84 = tpu.memref_slice %arg2[%dma_wait3A_82, %dma_wait3A_83] : memref<12800x128xi32, #tpu.memory_space<hbm>> -> memref<12800x128xi32, #tpu.memory_space<hbm>>
    tpu.wait_indirect_dma semaphore(%arg7 : memref<!tpu.dma_semaphore, #tpu.memory_space<semaphore_mem>>) src(%dma_wait3A_84 : memref<12800x128xi32, #tpu.memory_space<hbm>>) dst(%dma_wait3A_78 : memref<128x128xi32, #tpu.memory_space<vmem>>)
    %dma_wait3A_85 = arith.constant 3 : i32
    %dma_wait3A_86 = arith.constant 3 : i32
    %dma_wait3A_87 = arith.constant 0 : i32
    %dma_wait3A_88 = arith.constant 0 : i32
    %dma_wait3A_89 = tpu.memref_slice %arg6[%dma_wait3A_86, %dma_wait3A_87, %dma_wait3A_88] : memref<4x128x128xi32, #tpu.memory_space<vmem>> -> memref<1x128x128xi32, #tpu.memory_space<vmem>>
    %dma_wait3A_90 = tpu.memref_squeeze %dma_wait3A_89 : memref<1x128x128xi32, #tpu.memory_space<vmem>> -> memref<128x128xi32, #tpu.memory_space<vmem>>
    %dma_wait3A_91 = arith.constant 0 : i32
    %dma_wait3A_92 = tpu.memref_slice %arg5[%dma_wait3A_85, %dma_wait3A_91] : memref<4x128xi32, #tpu.memory_space<vmem>> -> memref<1x128xi32, #tpu.memory_space<vmem>>
    %dma_wait3A_93 = tpu.memref_squeeze %dma_wait3A_92 : memref<1x128xi32, #tpu.memory_space<vmem>> -> memref<128xi32, #tpu.memory_space<vmem>>
    %dma_wait3A_94 = arith.constant 0 : i32
    %dma_wait3A_95 = arith.constant 0 : i32
    %dma_wait3A_96 = tpu.memref_slice %arg2[%dma_wait3A_94, %dma_wait3A_95] : memref<12800x128xi32, #tpu.memory_space<hbm>> -> memref<12800x128xi32, #tpu.memory_space<hbm>>
    tpu.wait_indirect_dma semaphore(%arg7 : memref<!tpu.dma_semaphore, #tpu.memory_space<semaphore_mem>>) src(%dma_wait3A_96 : memref<12800x128xi32, #tpu.memory_space<hbm>>) dst(%dma_wait3A_90 : memref<128x128xi32, #tpu.memory_space<vmem>>)
    %add3A_97 = arith.constant 0 : i32
    %add3A_98 = arith.addi %mul3A_2, %add3A_97 : i32
    %run_scoped3A = arith.constant 0 : i32
    "tpu.region"() ({
      %run_scoped3A_108 = tpu.sem_alloc : memref<!tpu.dma_semaphore, #tpu.memory_space<semaphore_mem>>
      %dma_start3A_109 = arith.constant 0 : i32
      %dma_start3A_110 = arith.constant 0 : i32
      %dma_start3A_111 = tpu.memref_slice %arg6[%run_scoped3A, %dma_start3A_109, %dma_start3A_110] : memref<4x128x128xi32, #tpu.memory_space<vmem>> -> memref<1x128x128xi32, #tpu.memory_space<vmem>>
      %dma_start3A_112 = tpu.memref_squeeze %dma_start3A_111 : memref<1x128x128xi32, #tpu.memory_space<vmem>> -> memref<128x128xi32, #tpu.memory_space<vmem>>
      %dma_start3A_113 = arith.constant 0 : i32
      %dma_start3A_114 = tpu.memref_slice %arg4[%add3A_98, %dma_start3A_113] : memref<16384x128xi32, #tpu.memory_space<hbm>> -> memref<128x128xi32, #tpu.memory_space<hbm>>
      %dma_start3A_115 = arith.constant 0 : i32
      %dma_start3A_116 = tpu.memref_slice %arg4[%add3A_98, %dma_start3A_115] : memref<16384x128xi32, #tpu.memory_space<hbm>> -> memref<128x128xi32, #tpu.memory_space<hbm>>
      %dma_start3A_117 = arith.constant 0 : i32
      %dma_start3A_118 = arith.constant 0 : i32
      %dma_start3A_119 = tpu.memref_slice %arg6[%run_scoped3A, %dma_start3A_117, %dma_start3A_118] : memref<4x128x128xi32, #tpu.memory_space<vmem>> -> memref<1x128x128xi32, #tpu.memory_space<vmem>>
      %dma_start3A_120 = tpu.memref_squeeze %dma_start3A_119 : memref<1x128x128xi32, #tpu.memory_space<vmem>> -> memref<128x128xi32, #tpu.memory_space<vmem>>
      tpu.enqueue_dma source(%dma_start3A_120 : memref<128x128xi32, #tpu.memory_space<vmem>>) target(%dma_start3A_116 : memref<128x128xi32, #tpu.memory_space<hbm>>) target_semaphore(%run_scoped3A_108 : memref<!tpu.dma_semaphore, #tpu.memory_space<semaphore_mem>>)
      %dma_wait3A_121 = arith.constant 0 : i32
      %dma_wait3A_122 = arith.constant 0 : i32
      %dma_wait3A_123 = tpu.memref_slice %arg6[%run_scoped3A, %dma_wait3A_121, %dma_wait3A_122] : memref<4x128x128xi32, #tpu.memory_space<vmem>> -> memref<1x128x128xi32, #tpu.memory_space<vmem>>
      %dma_wait3A_124 = tpu.memref_squeeze %dma_wait3A_123 : memref<1x128x128xi32, #tpu.memory_space<vmem>> -> memref<128x128xi32, #tpu.memory_space<vmem>>
      %dma_wait3A_125 = arith.constant 0 : i32
      %dma_wait3A_126 = tpu.memref_slice %arg4[%add3A_98, %dma_wait3A_125] : memref<16384x128xi32, #tpu.memory_space<hbm>> -> memref<128x128xi32, #tpu.memory_space<hbm>>
      %dma_wait3A_127 = arith.constant 0 : i32
      %dma_wait3A_128 = tpu.memref_slice %arg4[%add3A_98, %dma_wait3A_127] : memref<16384x128xi32, #tpu.memory_space<hbm>> -> memref<128x128xi32, #tpu.memory_space<hbm>>
      %dma_wait3A_129 = arith.constant 0 : i32
      %dma_wait3A_130 = arith.constant 0 : i32
      %dma_wait3A_131 = tpu.memref_slice %arg6[%run_scoped3A, %dma_wait3A_129, %dma_wait3A_130] : memref<4x128x128xi32, #tpu.memory_space<vmem>> -> memref<1x128x128xi32, #tpu.memory_space<vmem>>
      %dma_wait3A_132 = tpu.memref_squeeze %dma_wait3A_131 : memref<1x128x128xi32, #tpu.memory_space<vmem>> -> memref<128x128xi32, #tpu.memory_space<vmem>>
      tpu.wait_dma2 semaphore(%run_scoped3A_108 : memref<!tpu.dma_semaphore, #tpu.memory_space<semaphore_mem>>) src(%dma_wait3A_132 : memref<128x128xi32, #tpu.memory_space<vmem>>) dst(%dma_wait3A_128 : memref<128x128xi32, #tpu.memory_space<hbm>>)
      tpu.yield
    }) : () -> ()
    %add3A_99 = arith.constant 128 : i32
    %add3A_100 = arith.addi %mul3A_2, %add3A_99 : i32
    %run_scoped3A_101 = arith.constant 1 : i32
    "tpu.region"() ({
      %run_scoped3A_108 = tpu.sem_alloc : memref<!tpu.dma_semaphore, #tpu.memory_space<semaphore_mem>>
      %dma_start3A_109 = arith.constant 0 : i32
      %dma_start3A_110 = arith.constant 0 : i32
      %dma_start3A_111 = tpu.memref_slice %arg6[%run_scoped3A_101, %dma_start3A_109, %dma_start3A_110] : memref<4x128x128xi32, #tpu.memory_space<vmem>> -> memref<1x128x128xi32, #tpu.memory_space<vmem>>
      %dma_start3A_112 = tpu.memref_squeeze %dma_start3A_111 : memref<1x128x128xi32, #tpu.memory_space<vmem>> -> memref<128x128xi32, #tpu.memory_space<vmem>>
      %dma_start3A_113 = arith.constant 0 : i32
      %dma_start3A_114 = tpu.memref_slice %arg4[%add3A_100, %dma_start3A_113] : memref<16384x128xi32, #tpu.memory_space<hbm>> -> memref<128x128xi32, #tpu.memory_space<hbm>>
      %dma_start3A_115 = arith.constant 0 : i32
      %dma_start3A_116 = tpu.memref_slice %arg4[%add3A_100, %dma_start3A_115] : memref<16384x128xi32, #tpu.memory_space<hbm>> -> memref<128x128xi32, #tpu.memory_space<hbm>>
      %dma_start3A_117 = arith.constant 0 : i32
      %dma_start3A_118 = arith.constant 0 : i32
      %dma_start3A_119 = tpu.memref_slice %arg6[%run_scoped3A_101, %dma_start3A_117, %dma_start3A_118] : memref<4x128x128xi32, #tpu.memory_space<vmem>> -> memref<1x128x128xi32, #tpu.memory_space<vmem>>
      %dma_start3A_120 = tpu.memref_squeeze %dma_start3A_119 : memref<1x128x128xi32, #tpu.memory_space<vmem>> -> memref<128x128xi32, #tpu.memory_space<vmem>>
      tpu.enqueue_dma source(%dma_start3A_120 : memref<128x128xi32, #tpu.memory_space<vmem>>) target(%dma_start3A_116 : memref<128x128xi32, #tpu.memory_space<hbm>>) target_semaphore(%run_scoped3A_108 : memref<!tpu.dma_semaphore, #tpu.memory_space<semaphore_mem>>)
      %dma_wait3A_121 = arith.constant 0 : i32
      %dma_wait3A_122 = arith.constant 0 : i32
      %dma_wait3A_123 = tpu.memref_slice %arg6[%run_scoped3A_101, %dma_wait3A_121, %dma_wait3A_122] : memref<4x128x128xi32, #tpu.memory_space<vmem>> -> memref<1x128x128xi32, #tpu.memory_space<vmem>>
      %dma_wait3A_124 = tpu.memref_squeeze %dma_wait3A_123 : memref<1x128x128xi32, #tpu.memory_space<vmem>> -> memref<128x128xi32, #tpu.memory_space<vmem>>
      %dma_wait3A_125 = arith.constant 0 : i32
      %dma_wait3A_126 = tpu.memref_slice %arg4[%add3A_100, %dma_wait3A_125] : memref<16384x128xi32, #tpu.memory_space<hbm>> -> memref<128x128xi32, #tpu.memory_space<hbm>>
      %dma_wait3A_127 = arith.constant 0 : i32
      %dma_wait3A_128 = tpu.memref_slice %arg4[%add3A_100, %dma_wait3A_127] : memref<16384x128xi32, #tpu.memory_space<hbm>> -> memref<128x128xi32, #tpu.memory_space<hbm>>
      %dma_wait3A_129 = arith.constant 0 : i32
      %dma_wait3A_130 = arith.constant 0 : i32
      %dma_wait3A_131 = tpu.memref_slice %arg6[%run_scoped3A_101, %dma_wait3A_129, %dma_wait3A_130] : memref<4x128x128xi32, #tpu.memory_space<vmem>> -> memref<1x128x128xi32, #tpu.memory_space<vmem>>
      %dma_wait3A_132 = tpu.memref_squeeze %dma_wait3A_131 : memref<1x128x128xi32, #tpu.memory_space<vmem>> -> memref<128x128xi32, #tpu.memory_space<vmem>>
      tpu.wait_dma2 semaphore(%run_scoped3A_108 : memref<!tpu.dma_semaphore, #tpu.memory_space<semaphore_mem>>) src(%dma_wait3A_132 : memref<128x128xi32, #tpu.memory_space<vmem>>) dst(%dma_wait3A_128 : memref<128x128xi32, #tpu.memory_space<hbm>>)
      tpu.yield
    }) : () -> ()
    %add3A_102 = arith.constant 256 : i32
    %add3A_103 = arith.addi %mul3A_2, %add3A_102 : i32
    %run_scoped3A_104 = arith.constant 2 : i32
    "tpu.region"() ({
      %run_scoped3A_108 = tpu.sem_alloc : memref<!tpu.dma_semaphore, #tpu.memory_space<semaphore_mem>>
      %dma_start3A_109 = arith.constant 0 : i32
      %dma_start3A_110 = arith.constant 0 : i32
      %dma_start3A_111 = tpu.memref_slice %arg6[%run_scoped3A_104, %dma_start3A_109, %dma_start3A_110] : memref<4x128x128xi32, #tpu.memory_space<vmem>> -> memref<1x128x128xi32, #tpu.memory_space<vmem>>
      %dma_start3A_112 = tpu.memref_squeeze %dma_start3A_111 : memref<1x128x128xi32, #tpu.memory_space<vmem>> -> memref<128x128xi32, #tpu.memory_space<vmem>>
      %dma_start3A_113 = arith.constant 0 : i32
      %dma_start3A_114 = tpu.memref_slice %arg4[%add3A_103, %dma_start3A_113] : memref<16384x128xi32, #tpu.memory_space<hbm>> -> memref<128x128xi32, #tpu.memory_space<hbm>>
      %dma_start3A_115 = arith.constant 0 : i32
      %dma_start3A_116 = tpu.memref_slice %arg4[%add3A_103, %dma_start3A_115] : memref<16384x128xi32, #tpu.memory_space<hbm>> -> memref<128x128xi32, #tpu.memory_space<hbm>>
      %dma_start3A_117 = arith.constant 0 : i32
      %dma_start3A_118 = arith.constant 0 : i32
      %dma_start3A_119 = tpu.memref_slice %arg6[%run_scoped3A_104, %dma_start3A_117, %dma_start3A_118] : memref<4x128x128xi32, #tpu.memory_space<vmem>> -> memref<1x128x128xi32, #tpu.memory_space<vmem>>
      %dma_start3A_120 = tpu.memref_squeeze %dma_start3A_119 : memref<1x128x128xi32, #tpu.memory_space<vmem>> -> memref<128x128xi32, #tpu.memory_space<vmem>>
      tpu.enqueue_dma source(%dma_start3A_120 : memref<128x128xi32, #tpu.memory_space<vmem>>) target(%dma_start3A_116 : memref<128x128xi32, #tpu.memory_space<hbm>>) target_semaphore(%run_scoped3A_108 : memref<!tpu.dma_semaphore, #tpu.memory_space<semaphore_mem>>)
      %dma_wait3A_121 = arith.constant 0 : i32
      %dma_wait3A_122 = arith.constant 0 : i32
      %dma_wait3A_123 = tpu.memref_slice %arg6[%run_scoped3A_104, %dma_wait3A_121, %dma_wait3A_122] : memref<4x128x128xi32, #tpu.memory_space<vmem>> -> memref<1x128x128xi32, #tpu.memory_space<vmem>>
      %dma_wait3A_124 = tpu.memref_squeeze %dma_wait3A_123 : memref<1x128x128xi32, #tpu.memory_space<vmem>> -> memref<128x128xi32, #tpu.memory_space<vmem>>
      %dma_wait3A_125 = arith.constant 0 : i32
      %dma_wait3A_126 = tpu.memref_slice %arg4[%add3A_103, %dma_wait3A_125] : memref<16384x128xi32, #tpu.memory_space<hbm>> -> memref<128x128xi32, #tpu.memory_space<hbm>>
      %dma_wait3A_127 = arith.constant 0 : i32
      %dma_wait3A_128 = tpu.memref_slice %arg4[%add3A_103, %dma_wait3A_127] : memref<16384x128xi32, #tpu.memory_space<hbm>> -> memref<128x128xi32, #tpu.memory_space<hbm>>
      %dma_wait3A_129 = arith.constant 0 : i32
      %dma_wait3A_130 = arith.constant 0 : i32
      %dma_wait3A_131 = tpu.memref_slice %arg6[%run_scoped3A_104, %dma_wait3A_129, %dma_wait3A_130] : memref<4x128x128xi32, #tpu.memory_space<vmem>> -> memref<1x128x128xi32, #tpu.memory_space<vmem>>
      %dma_wait3A_132 = tpu.memref_squeeze %dma_wait3A_131 : memref<1x128x128xi32, #tpu.memory_space<vmem>> -> memref<128x128xi32, #tpu.memory_space<vmem>>
      tpu.wait_dma2 semaphore(%run_scoped3A_108 : memref<!tpu.dma_semaphore, #tpu.memory_space<semaphore_mem>>) src(%dma_wait3A_132 : memref<128x128xi32, #tpu.memory_space<vmem>>) dst(%dma_wait3A_128 : memref<128x128xi32, #tpu.memory_space<hbm>>)
      tpu.yield
    }) : () -> ()
    %add3A_105 = arith.constant 384 : i32
    %add3A_106 = arith.addi %mul3A_2, %add3A_105 : i32
    %run_scoped3A_107 = arith.constant 3 : i32
    "tpu.region"() ({
      %run_scoped3A_108 = tpu.sem_alloc : memref<!tpu.dma_semaphore, #tpu.memory_space<semaphore_mem>>
      %dma_start3A_109 = arith.constant 0 : i32
      %dma_start3A_110 = arith.constant 0 : i32
      %dma_start3A_111 = tpu.memref_slice %arg6[%run_scoped3A_107, %dma_start3A_109, %dma_start3A_110] : memref<4x128x128xi32, #tpu.memory_space<vmem>> -> memref<1x128x128xi32, #tpu.memory_space<vmem>>
      %dma_start3A_112 = tpu.memref_squeeze %dma_start3A_111 : memref<1x128x128xi32, #tpu.memory_space<vmem>> -> memref<128x128xi32, #tpu.memory_space<vmem>>
      %dma_start3A_113 = arith.constant 0 : i32
      %dma_start3A_114 = tpu.memref_slice %arg4[%add3A_106, %dma_start3A_113] : memref<16384x128xi32, #tpu.memory_space<hbm>> -> memref<128x128xi32, #tpu.memory_space<hbm>>
      %dma_start3A_115 = arith.constant 0 : i32
      %dma_start3A_116 = tpu.memref_slice %arg4[%add3A_106, %dma_start3A_115] : memref<16384x128xi32, #tpu.memory_space<hbm>> -> memref<128x128xi32, #tpu.memory_space<hbm>>
      %dma_start3A_117 = arith.constant 0 : i32
      %dma_start3A_118 = arith.constant 0 : i32
      %dma_start3A_119 = tpu.memref_slice %arg6[%run_scoped3A_107, %dma_start3A_117, %dma_start3A_118] : memref<4x128x128xi32, #tpu.memory_space<vmem>> -> memref<1x128x128xi32, #tpu.memory_space<vmem>>
      %dma_start3A_120 = tpu.memref_squeeze %dma_start3A_119 : memref<1x128x128xi32, #tpu.memory_space<vmem>> -> memref<128x128xi32, #tpu.memory_space<vmem>>
      tpu.enqueue_dma source(%dma_start3A_120 : memref<128x128xi32, #tpu.memory_space<vmem>>) target(%dma_start3A_116 : memref<128x128xi32, #tpu.memory_space<hbm>>) target_semaphore(%run_scoped3A_108 : memref<!tpu.dma_semaphore, #tpu.memory_space<semaphore_mem>>)
      %dma_wait3A_121 = arith.constant 0 : i32
      %dma_wait3A_122 = arith.constant 0 : i32
      %dma_wait3A_123 = tpu.memref_slice %arg6[%run_scoped3A_107, %dma_wait3A_121, %dma_wait3A_122] : memref<4x128x128xi32, #tpu.memory_space<vmem>> -> memref<1x128x128xi32, #tpu.memory_space<vmem>>
      %dma_wait3A_124 = tpu.memref_squeeze %dma_wait3A_123 : memref<1x128x128xi32, #tpu.memory_space<vmem>> -> memref<128x128xi32, #tpu.memory_space<vmem>>
      %dma_wait3A_125 = arith.constant 0 : i32
      %dma_wait3A_126 = tpu.memref_slice %arg4[%add3A_106, %dma_wait3A_125] : memref<16384x128xi32, #tpu.memory_space<hbm>> -> memref<128x128xi32, #tpu.memory_space<hbm>>
      %dma_wait3A_127 = arith.constant 0 : i32
      %dma_wait3A_128 = tpu.memref_slice %arg4[%add3A_106, %dma_wait3A_127] : memref<16384x128xi32, #tpu.memory_space<hbm>> -> memref<128x128xi32, #tpu.memory_space<hbm>>
      %dma_wait3A_129 = arith.constant 0 : i32
      %dma_wait3A_130 = arith.constant 0 : i32
      %dma_wait3A_131 = tpu.memref_slice %arg6[%run_scoped3A_107, %dma_wait3A_129, %dma_wait3A_130] : memref<4x128x128xi32, #tpu.memory_space<vmem>> -> memref<1x128x128xi32, #tpu.memory_space<vmem>>
      %dma_wait3A_132 = tpu.memref_squeeze %dma_wait3A_131 : memref<1x128x128xi32, #tpu.memory_space<vmem>> -> memref<128x128xi32, #tpu.memory_space<vmem>>
      tpu.wait_dma2 semaphore(%run_scoped3A_108 : memref<!tpu.dma_semaphore, #tpu.memory_space<semaphore_mem>>) src(%dma_wait3A_132 : memref<128x128xi32, #tpu.memory_space<vmem>>) dst(%dma_wait3A_128 : memref<128x128xi32, #tpu.memory_space<hbm>>)
      tpu.yield
    }) : () -> ()
    return
  }
}

module attributes {stable_mosaic.version = 14 : i64} {
  func.func @_pack_body(%arg0: i32, %arg1: memref<32x5120xf32, #tpu.memory_space<vmem>>, %arg2: memref<32x5120xf32, #tpu.memory_space<vmem>>, %arg3: memref<32x5120xf32, #tpu.memory_space<vmem>>, %arg4: memref<32x5120xf32, #tpu.memory_space<vmem>>, %arg5: memref<32x5120xf32, #tpu.memory_space<vmem>>, %arg6: memref<32x5120xf32, #tpu.memory_space<vmem>>, %arg7: memref<32x5120xf32, #tpu.memory_space<vmem>>, %arg8: memref<32x5120xf32, #tpu.memory_space<vmem>>, %arg9: memref<5120x128xi32, #tpu.memory_space<vmem>>) attributes {dimension_semantics = [#tpu.dimension_semantics<arbitrary>], iteration_bounds = array<i64: 25>, scalar_prefetch = 0 : i64, scratch_operands = 0 : i64, tpu.core_type = #tpu.core_type<tc>, window_params = [{transform_indices = @transform_0, window_bounds = array<i64: 32, 5120>}, {transform_indices = @transform_1, window_bounds = array<i64: 32, 5120>}, {transform_indices = @transform_2, window_bounds = array<i64: 32, 5120>}, {transform_indices = @transform_3, window_bounds = array<i64: 32, 5120>}, {transform_indices = @transform_4, window_bounds = array<i64: 32, 5120>}, {transform_indices = @transform_5, window_bounds = array<i64: 32, 5120>}, {transform_indices = @transform_6, window_bounds = array<i64: 32, 5120>}, {transform_indices = @transform_7, window_bounds = array<i64: 32, 5120>}, {transform_indices = @transform_8, window_bounds = array<i64: 5120, 128>}]} {
    %get3A = arith.constant 0 : index
    %get3A_0 = arith.constant 0 : index
    %get3A_1 = vector.load %arg1[%get3A, %get3A_0] : memref<32x5120xf32, #tpu.memory_space<vmem>>, vector<32x5120xf32>
    %get3A_2 = arith.constant 0 : index
    %get3A_3 = arith.constant 0 : index
    %get3A_4 = vector.load %arg2[%get3A_2, %get3A_3] : memref<32x5120xf32, #tpu.memory_space<vmem>>, vector<32x5120xf32>
    %get3A_5 = arith.constant 0 : index
    %get3A_6 = arith.constant 0 : index
    %get3A_7 = vector.load %arg3[%get3A_5, %get3A_6] : memref<32x5120xf32, #tpu.memory_space<vmem>>, vector<32x5120xf32>
    %get3A_8 = arith.constant 0 : index
    %get3A_9 = arith.constant 0 : index
    %get3A_10 = vector.load %arg4[%get3A_8, %get3A_9] : memref<32x5120xf32, #tpu.memory_space<vmem>>, vector<32x5120xf32>
    %get3A_11 = arith.constant 0 : index
    %get3A_12 = arith.constant 0 : index
    %get3A_13 = vector.load %arg5[%get3A_11, %get3A_12] : memref<32x5120xf32, #tpu.memory_space<vmem>>, vector<32x5120xf32>
    %get3A_14 = arith.constant 0 : index
    %get3A_15 = arith.constant 0 : index
    %get3A_16 = vector.load %arg6[%get3A_14, %get3A_15] : memref<32x5120xf32, #tpu.memory_space<vmem>>, vector<32x5120xf32>
    %get3A_17 = arith.constant 0 : index
    %get3A_18 = arith.constant 0 : index
    %get3A_19 = vector.load %arg7[%get3A_17, %get3A_18] : memref<32x5120xf32, #tpu.memory_space<vmem>>, vector<32x5120xf32>
    %get3A_20 = arith.constant 0 : index
    %get3A_21 = arith.constant 0 : index
    %get3A_22 = vector.load %arg8[%get3A_20, %get3A_21] : memref<32x5120xf32, #tpu.memory_space<vmem>>, vector<32x5120xf32>
    %concatenate3A = tpu.concatenate %get3A_1, %get3A_4, %get3A_7, %get3A_10, %get3A_13, %get3A_16, %get3A_19, %get3A_22 in 0 : vector<32x5120xf32>, vector<32x5120xf32>, vector<32x5120xf32>, vector<32x5120xf32>, vector<32x5120xf32>, vector<32x5120xf32>, vector<32x5120xf32>, vector<32x5120xf32> -> vector<256x5120xf32>
    %iota3A = tpu.iota {dimensions = array<i32: 0>} : vector<256x256xi32>
    %iota3A_23 = tpu.iota {dimensions = array<i32: 1>} : vector<256x256xi32>
    %eq3A = arith.cmpi eq, %iota3A, %iota3A_23 : vector<256x256xi32>
    %convert_element_type3A = arith.extui %eq3A : vector<256x256xi1> to vector<256x256xi32>
    %convert_element_type3A_24 = arith.sitofp %convert_element_type3A : vector<256x256xi32> to vector<256x256xf32>
    %dot_general3A = arith.constant dense<0.000000e+00> : vector<5120x256xf32>
    %dot_general3A_25 = tpu.matmul %concatenate3A, %convert_element_type3A_24, %dot_general3A {dimension_numbers = #tpu.dot_dimension_numbers<[0], [0], [1], [1], [0, 1, 1, 1], [], []>, transpose_lhs_hint = false} : vector<256x5120xf32>, vector<256x256xf32>, vector<5120x256xf32> -> vector<5120x256xf32>
    %slice3A = vector.extract_strided_slice %dot_general3A_25 {offsets = [0, 0], sizes = [5120, 128], strides = [1, 1]} : vector<5120x256xf32> to vector<5120x128xf32>
    %bitcast_convert_type3A = tpu.bitcast %slice3A : vector<5120x128xf32> -> vector<5120x128xi32>
    %slice3A_26 = vector.extract_strided_slice %dot_general3A_25 {offsets = [0, 128], sizes = [5120, 128], strides = [1, 1]} : vector<5120x256xf32> to vector<5120x128xf32>
    %bitcast_convert_type3A_27 = tpu.bitcast %slice3A_26 : vector<5120x128xf32> -> vector<5120x128xi32>
    %add3A = arith.constant 32768 : i32
    %add3A_28 = vector.broadcast %add3A : i32 to vector<5120x128xi32>
    %add3A_29 = arith.addi %bitcast_convert_type3A, %add3A_28 : vector<5120x128xi32>
    %shift_right_logical3A = arith.constant 16 : i32
    %shift_right_logical3A_30 = vector.broadcast %shift_right_logical3A : i32 to vector<5120x128xi32>
    %shift_right_logical3A_31 = arith.shrui %add3A_29, %shift_right_logical3A_30 : vector<5120x128xi32>
    %add3A_32 = arith.constant 32768 : i32
    %add3A_33 = vector.broadcast %add3A_32 : i32 to vector<5120x128xi32>
    %add3A_34 = arith.addi %bitcast_convert_type3A_27, %add3A_33 : vector<5120x128xi32>
    %and3A = arith.constant -65536 : i32
    %and3A_35 = vector.broadcast %and3A : i32 to vector<5120x128xi32>
    %and3A_36 = arith.andi %add3A_34, %and3A_35 : vector<5120x128xi32>
    %or3A = arith.ori %and3A_36, %shift_right_logical3A_31 : vector<5120x128xi32>
    %bitcast_convert_type3A_37 = tpu.bitcast %or3A : vector<5120x128xi32> -> vector<5120x128xi32>
    %swap3A = arith.constant 0 : index
    %swap3A_38 = arith.constant 0 : index
    %swap3A_39 = vector.load %arg9[%swap3A, %swap3A_38] : memref<5120x128xi32, #tpu.memory_space<vmem>>, vector<5120x128xi32>
    tpu.vector_store %arg9[%swap3A, %swap3A_38], %bitcast_convert_type3A_37 {strides = array<i32>} : memref<5120x128xi32, #tpu.memory_space<vmem>>, vector<5120x128xi32>,
    return
  }
  func.func @transform_0(%arg0: i32) -> (i32, i32) {
    %add3A = arith.constant 0 : i32
    %add3A_0 = arith.addi %add3A, %arg0 : i32
    %min3A = arith.constant 195 : i32
    %min3A_1 = arith.minsi %add3A_0, %min3A : i32
    %c0_i32 = arith.constant 0 : i32
    %c0_i32_2 = arith.constant 0 : i32
    return %c0_i32, %min3A_1 : i32, i32
  }
  func.func @transform_1(%arg0: i32) -> (i32, i32) {
    %add3A = arith.constant 25 : i32
    %add3A_0 = arith.addi %add3A, %arg0 : i32
    %min3A = arith.constant 195 : i32
    %min3A_1 = arith.minsi %add3A_0, %min3A : i32
    %c0_i32 = arith.constant 0 : i32
    %c0_i32_2 = arith.constant 0 : i32
    return %c0_i32, %min3A_1 : i32, i32
  }
  func.func @transform_2(%arg0: i32) -> (i32, i32) {
    %add3A = arith.constant 50 : i32
    %add3A_0 = arith.addi %add3A, %arg0 : i32
    %min3A = arith.constant 195 : i32
    %min3A_1 = arith.minsi %add3A_0, %min3A : i32
    %c0_i32 = arith.constant 0 : i32
    %c0_i32_2 = arith.constant 0 : i32
    return %c0_i32, %min3A_1 : i32, i32
  }
  func.func @transform_3(%arg0: i32) -> (i32, i32) {
    %add3A = arith.constant 75 : i32
    %add3A_0 = arith.addi %add3A, %arg0 : i32
    %min3A = arith.constant 195 : i32
    %min3A_1 = arith.minsi %add3A_0, %min3A : i32
    %c0_i32 = arith.constant 0 : i32
    %c0_i32_2 = arith.constant 0 : i32
    return %c0_i32, %min3A_1 : i32, i32
  }
  func.func @transform_4(%arg0: i32) -> (i32, i32) {
    %add3A = arith.constant 100 : i32
    %add3A_0 = arith.addi %add3A, %arg0 : i32
    %min3A = arith.constant 195 : i32
    %min3A_1 = arith.minsi %add3A_0, %min3A : i32
    %c0_i32 = arith.constant 0 : i32
    %c0_i32_2 = arith.constant 0 : i32
    return %c0_i32, %min3A_1 : i32, i32
  }
  func.func @transform_5(%arg0: i32) -> (i32, i32) {
    %add3A = arith.constant 125 : i32
    %add3A_0 = arith.addi %add3A, %arg0 : i32
    %min3A = arith.constant 195 : i32
    %min3A_1 = arith.minsi %add3A_0, %min3A : i32
    %c0_i32 = arith.constant 0 : i32
    %c0_i32_2 = arith.constant 0 : i32
    return %c0_i32, %min3A_1 : i32, i32
  }
  func.func @transform_6(%arg0: i32) -> (i32, i32) {
    %add3A = arith.constant 150 : i32
    %add3A_0 = arith.addi %add3A, %arg0 : i32
    %min3A = arith.constant 195 : i32
    %min3A_1 = arith.minsi %add3A_0, %min3A : i32
    %c0_i32 = arith.constant 0 : i32
    %c0_i32_2 = arith.constant 0 : i32
    return %c0_i32, %min3A_1 : i32, i32
  }
  func.func @transform_7(%arg0: i32) -> (i32, i32) {
    %add3A = arith.constant 175 : i32
    %add3A_0 = arith.addi %add3A, %arg0 : i32
    %min3A = arith.constant 195 : i32
    %min3A_1 = arith.minsi %add3A_0, %min3A : i32
    %c0_i32 = arith.constant 0 : i32
    %c0_i32_2 = arith.constant 0 : i32
    return %c0_i32, %min3A_1 : i32, i32
  }
  func.func @transform_8(%arg0: i32) -> (i32, i32) {
    %c0_i32 = arith.constant 0 : i32
    %c0_i32_0 = arith.constant 0 : i32
    return %arg0, %c0_i32 : i32, i32
  }
}

module attributes {stable_mosaic.version = 14 : i64} {
  func.func @_pack_body(%arg0: i32, %arg1: memref<32x6400xf32, #tpu.memory_space<vmem>>, %arg2: memref<32x6400xf32, #tpu.memory_space<vmem>>, %arg3: memref<32x6400xf32, #tpu.memory_space<vmem>>, %arg4: memref<32x6400xf32, #tpu.memory_space<vmem>>, %arg5: memref<32x6400xf32, #tpu.memory_space<vmem>>, %arg6: memref<32x6400xf32, #tpu.memory_space<vmem>>, %arg7: memref<32x6400xf32, #tpu.memory_space<vmem>>, %arg8: memref<32x6400xf32, #tpu.memory_space<vmem>>, %arg9: memref<6400x128xi32, #tpu.memory_space<vmem>>) attributes {dimension_semantics = [#tpu.dimension_semantics<arbitrary>], iteration_bounds = array<i64: 2>, scalar_prefetch = 0 : i64, scratch_operands = 0 : i64, tpu.core_type = #tpu.core_type<tc>, window_params = [{transform_indices = @transform_0, window_bounds = array<i64: 32, 6400>}, {transform_indices = @transform_1, window_bounds = array<i64: 32, 6400>}, {transform_indices = @transform_2, window_bounds = array<i64: 32, 6400>}, {transform_indices = @transform_3, window_bounds = array<i64: 32, 6400>}, {transform_indices = @transform_4, window_bounds = array<i64: 32, 6400>}, {transform_indices = @transform_5, window_bounds = array<i64: 32, 6400>}, {transform_indices = @transform_6, window_bounds = array<i64: 32, 6400>}, {transform_indices = @transform_7, window_bounds = array<i64: 32, 6400>}, {transform_indices = @transform_8, window_bounds = array<i64: 6400, 128>}]} {
    %get3A = arith.constant 0 : index
    %get3A_0 = arith.constant 0 : index
    %get3A_1 = vector.load %arg1[%get3A, %get3A_0] : memref<32x6400xf32, #tpu.memory_space<vmem>>, vector<32x6400xf32>
    %get3A_2 = arith.constant 0 : index
    %get3A_3 = arith.constant 0 : index
    %get3A_4 = vector.load %arg2[%get3A_2, %get3A_3] : memref<32x6400xf32, #tpu.memory_space<vmem>>, vector<32x6400xf32>
    %get3A_5 = arith.constant 0 : index
    %get3A_6 = arith.constant 0 : index
    %get3A_7 = vector.load %arg3[%get3A_5, %get3A_6] : memref<32x6400xf32, #tpu.memory_space<vmem>>, vector<32x6400xf32>
    %get3A_8 = arith.constant 0 : index
    %get3A_9 = arith.constant 0 : index
    %get3A_10 = vector.load %arg4[%get3A_8, %get3A_9] : memref<32x6400xf32, #tpu.memory_space<vmem>>, vector<32x6400xf32>
    %get3A_11 = arith.constant 0 : index
    %get3A_12 = arith.constant 0 : index
    %get3A_13 = vector.load %arg5[%get3A_11, %get3A_12] : memref<32x6400xf32, #tpu.memory_space<vmem>>, vector<32x6400xf32>
    %get3A_14 = arith.constant 0 : index
    %get3A_15 = arith.constant 0 : index
    %get3A_16 = vector.load %arg6[%get3A_14, %get3A_15] : memref<32x6400xf32, #tpu.memory_space<vmem>>, vector<32x6400xf32>
    %get3A_17 = arith.constant 0 : index
    %get3A_18 = arith.constant 0 : index
    %get3A_19 = vector.load %arg7[%get3A_17, %get3A_18] : memref<32x6400xf32, #tpu.memory_space<vmem>>, vector<32x6400xf32>
    %get3A_20 = arith.constant 0 : index
    %get3A_21 = arith.constant 0 : index
    %get3A_22 = vector.load %arg8[%get3A_20, %get3A_21] : memref<32x6400xf32, #tpu.memory_space<vmem>>, vector<32x6400xf32>
    %concatenate3A = tpu.concatenate %get3A_1, %get3A_4, %get3A_7, %get3A_10, %get3A_13, %get3A_16, %get3A_19, %get3A_22 in 0 : vector<32x6400xf32>, vector<32x6400xf32>, vector<32x6400xf32>, vector<32x6400xf32>, vector<32x6400xf32>, vector<32x6400xf32>, vector<32x6400xf32>, vector<32x6400xf32> -> vector<256x6400xf32>
    %iota3A = tpu.iota {dimensions = array<i32: 0>} : vector<256x256xi32>
    %iota3A_23 = tpu.iota {dimensions = array<i32: 1>} : vector<256x256xi32>
    %eq3A = arith.cmpi eq, %iota3A, %iota3A_23 : vector<256x256xi32>
    %convert_element_type3A = arith.extui %eq3A : vector<256x256xi1> to vector<256x256xi32>
    %convert_element_type3A_24 = arith.sitofp %convert_element_type3A : vector<256x256xi32> to vector<256x256xf32>
    %dot_general3A = arith.constant dense<0.000000e+00> : vector<6400x256xf32>
    %dot_general3A_25 = tpu.matmul %concatenate3A, %convert_element_type3A_24, %dot_general3A {dimension_numbers = #tpu.dot_dimension_numbers<[0], [0], [1], [1], [0, 1, 1, 1], [], []>, transpose_lhs_hint = false} : vector<256x6400xf32>, vector<256x256xf32>, vector<6400x256xf32> -> vector<6400x256xf32>
    %slice3A = vector.extract_strided_slice %dot_general3A_25 {offsets = [0, 0], sizes = [6400, 128], strides = [1, 1]} : vector<6400x256xf32> to vector<6400x128xf32>
    %bitcast_convert_type3A = tpu.bitcast %slice3A : vector<6400x128xf32> -> vector<6400x128xi32>
    %slice3A_26 = vector.extract_strided_slice %dot_general3A_25 {offsets = [0, 128], sizes = [6400, 128], strides = [1, 1]} : vector<6400x256xf32> to vector<6400x128xf32>
    %bitcast_convert_type3A_27 = tpu.bitcast %slice3A_26 : vector<6400x128xf32> -> vector<6400x128xi32>
    %add3A = arith.constant 32768 : i32
    %add3A_28 = vector.broadcast %add3A : i32 to vector<6400x128xi32>
    %add3A_29 = arith.addi %bitcast_convert_type3A, %add3A_28 : vector<6400x128xi32>
    %shift_right_logical3A = arith.constant 16 : i32
    %shift_right_logical3A_30 = vector.broadcast %shift_right_logical3A : i32 to vector<6400x128xi32>
    %shift_right_logical3A_31 = arith.shrui %add3A_29, %shift_right_logical3A_30 : vector<6400x128xi32>
    %add3A_32 = arith.constant 32768 : i32
    %add3A_33 = vector.broadcast %add3A_32 : i32 to vector<6400x128xi32>
    %add3A_34 = arith.addi %bitcast_convert_type3A_27, %add3A_33 : vector<6400x128xi32>
    %and3A = arith.constant -65536 : i32
    %and3A_35 = vector.broadcast %and3A : i32 to vector<6400x128xi32>
    %and3A_36 = arith.andi %add3A_34, %and3A_35 : vector<6400x128xi32>
    %or3A = arith.ori %and3A_36, %shift_right_logical3A_31 : vector<6400x128xi32>
    %bitcast_convert_type3A_37 = tpu.bitcast %or3A : vector<6400x128xi32> -> vector<6400x128xi32>
    %swap3A = arith.constant 0 : index
    %swap3A_38 = arith.constant 0 : index
    %swap3A_39 = vector.load %arg9[%swap3A, %swap3A_38] : memref<6400x128xi32, #tpu.memory_space<vmem>>, vector<6400x128xi32>
    tpu.vector_store %arg9[%swap3A, %swap3A_38], %bitcast_convert_type3A_37 {strides = array<i32>} : memref<6400x128xi32, #tpu.memory_space<vmem>>, vector<6400x128xi32>,
    return
  }
  func.func @transform_0(%arg0: i32) -> (i32, i32) {
    %add3A = arith.constant 0 : i32
    %add3A_0 = arith.addi %add3A, %arg0 : i32
    %min3A = arith.constant 15 : i32
    %min3A_1 = arith.minsi %add3A_0, %min3A : i32
    %c0_i32 = arith.constant 0 : i32
    %c0_i32_2 = arith.constant 0 : i32
    return %c0_i32, %min3A_1 : i32, i32
  }
  func.func @transform_1(%arg0: i32) -> (i32, i32) {
    %add3A = arith.constant 2 : i32
    %add3A_0 = arith.addi %add3A, %arg0 : i32
    %min3A = arith.constant 15 : i32
    %min3A_1 = arith.minsi %add3A_0, %min3A : i32
    %c0_i32 = arith.constant 0 : i32
    %c0_i32_2 = arith.constant 0 : i32
    return %c0_i32, %min3A_1 : i32, i32
  }
  func.func @transform_2(%arg0: i32) -> (i32, i32) {
    %add3A = arith.constant 4 : i32
    %add3A_0 = arith.addi %add3A, %arg0 : i32
    %min3A = arith.constant 15 : i32
    %min3A_1 = arith.minsi %add3A_0, %min3A : i32
    %c0_i32 = arith.constant 0 : i32
    %c0_i32_2 = arith.constant 0 : i32
    return %c0_i32, %min3A_1 : i32, i32
  }
  func.func @transform_3(%arg0: i32) -> (i32, i32) {
    %add3A = arith.constant 6 : i32
    %add3A_0 = arith.addi %add3A, %arg0 : i32
    %min3A = arith.constant 15 : i32
    %min3A_1 = arith.minsi %add3A_0, %min3A : i32
    %c0_i32 = arith.constant 0 : i32
    %c0_i32_2 = arith.constant 0 : i32
    return %c0_i32, %min3A_1 : i32, i32
  }
  func.func @transform_4(%arg0: i32) -> (i32, i32) {
    %add3A = arith.constant 8 : i32
    %add3A_0 = arith.addi %add3A, %arg0 : i32
    %min3A = arith.constant 15 : i32
    %min3A_1 = arith.minsi %add3A_0, %min3A : i32
    %c0_i32 = arith.constant 0 : i32
    %c0_i32_2 = arith.constant 0 : i32
    return %c0_i32, %min3A_1 : i32, i32
  }
  func.func @transform_5(%arg0: i32) -> (i32, i32) {
    %add3A = arith.constant 10 : i32
    %add3A_0 = arith.addi %add3A, %arg0 : i32
    %min3A = arith.constant 15 : i32
    %min3A_1 = arith.minsi %add3A_0, %min3A : i32
    %c0_i32 = arith.constant 0 : i32
    %c0_i32_2 = arith.constant 0 : i32
    return %c0_i32, %min3A_1 : i32, i32
  }
  func.func @transform_6(%arg0: i32) -> (i32, i32) {
    %add3A = arith.constant 12 : i32
    %add3A_0 = arith.addi %add3A, %arg0 : i32
    %min3A = arith.constant 15 : i32
    %min3A_1 = arith.minsi %add3A_0, %min3A : i32
    %c0_i32 = arith.constant 0 : i32
    %c0_i32_2 = arith.constant 0 : i32
    return %c0_i32, %min3A_1 : i32, i32
  }
  func.func @transform_7(%arg0: i32) -> (i32, i32) {
    %add3A = arith.constant 14 : i32
    %add3A_0 = arith.addi %add3A, %arg0 : i32
    %min3A = arith.constant 15 : i32
    %min3A_1 = arith.minsi %add3A_0, %min3A : i32
    %c0_i32 = arith.constant 0 : i32
    %c0_i32_2 = arith.constant 0 : i32
    return %c0_i32, %min3A_1 : i32, i32
  }
  func.func @transform_8(%arg0: i32) -> (i32, i32) {
    %c0_i32 = arith.constant 0 : i32
    %c0_i32_0 = arith.constant 0 : i32
    return %arg0, %c0_i32 : i32, i32
  }
}

module attributes {stable_mosaic.version = 14 : i64} {
  func.func @_mlp_body(%arg0: i32, %arg1: memref<4096x128xi32, #tpu.memory_space<vmem>>, %arg2: memref<4096x128xi32, #tpu.memory_space<vmem>>, %arg3: memref<4096xi32, #tpu.memory_space<vmem>>, %arg4: memref<4096xi32, #tpu.memory_space<vmem>>, %arg5: memref<64x64xf32, #tpu.memory_space<vmem>>, %arg6: memref<1x64xf32, #tpu.memory_space<vmem>>, %arg7: memref<64x32xf32, #tpu.memory_space<vmem>>, %arg8: memref<1x32xf32, #tpu.memory_space<vmem>>, %arg9: memref<1x32xf32, #tpu.memory_space<vmem>>, %arg10: memref<1x1xf32, #tpu.memory_space<smem>>, %arg11: memref<4096xf32, #tpu.memory_space<vmem>>) attributes {dimension_semantics = [#tpu.dimension_semantics<arbitrary>], iteration_bounds = array<i64: 4>, scalar_prefetch = 0 : i64, scratch_operands = 0 : i64, tpu.core_type = #tpu.core_type<tc>, window_params = [{transform_indices = @transform_0, window_bounds = array<i64: 4096, 128>}, {transform_indices = @transform_1, window_bounds = array<i64: 4096, 128>}, {transform_indices = @transform_2, window_bounds = array<i64: 4096>}, {transform_indices = @transform_3, window_bounds = array<i64: 4096>}, {pipeline_mode = #tpu.pipeline_mode<synchronous>, transform_indices = @transform_4, window_bounds = array<i64: 64, 64>}, {pipeline_mode = #tpu.pipeline_mode<synchronous>, transform_indices = @transform_5, window_bounds = array<i64: 1, 64>}, {pipeline_mode = #tpu.pipeline_mode<synchronous>, transform_indices = @transform_6, window_bounds = array<i64: 64, 32>}, {pipeline_mode = #tpu.pipeline_mode<synchronous>, transform_indices = @transform_7, window_bounds = array<i64: 1, 32>}, {pipeline_mode = #tpu.pipeline_mode<synchronous>, transform_indices = @transform_8, window_bounds = array<i64: 1, 32>}, {transform_indices = @transform_9, window_bounds = array<i64: 1, 1>}, {transform_indices = @transform_10, window_bounds = array<i64: 4096>}]} {
    %iota3A = tpu.iota {dimensions = array<i32: 1>} : vector<4096x128xi32>
    %jit3A = arith.constant 32 : i32
    %div3A = vector.broadcast %jit3A : i32 to vector<4096x128xi32>
    %div3A_0 = arith.divsi %iota3A, %div3A : vector<4096x128xi32>
    %sign3A = arith.constant 0 : i32
    %sign3A_1 = vector.broadcast %sign3A : i32 to vector<4096x128xi32>
    %sign3A_2 = arith.cmpi sgt, %iota3A, %sign3A_1 : vector<4096x128xi32>
    %sign3A_3 = arith.extui %sign3A_2 : vector<4096x128xi1> to vector<4096x128xi32>
    %sign3A_4 = arith.constant 0 : i32
    %sign3A_5 = vector.broadcast %sign3A_4 : i32 to vector<4096x128xi32>
    %sign3A_6 = arith.cmpi slt, %iota3A, %sign3A_5 : vector<4096x128xi32>
    %sign3A_7 = arith.extui %sign3A_6 : vector<4096x128xi1> to vector<4096x128xi32>
    %sign3A_8 = arith.subi %sign3A_3, %sign3A_7 : vector<4096x128xi32>
    %sign3A_9 = arith.constant 0 : i32
    %sign3A_10 = arith.cmpi sgt, %jit3A, %sign3A_9 : i32
    %sign3A_11 = arith.extui %sign3A_10 : i1 to i32
    %sign3A_12 = arith.constant 0 : i32
    %sign3A_13 = arith.cmpi slt, %jit3A, %sign3A_12 : i32
    %sign3A_14 = arith.extui %sign3A_13 : i1 to i32
    %sign3A_15 = arith.subi %sign3A_11, %sign3A_14 : i32
    %ne3A = vector.broadcast %sign3A_15 : i32 to vector<4096x128xi32>
    %ne3A_16 = arith.cmpi ne, %sign3A_8, %ne3A : vector<4096x128xi32>
    %rem3A = vector.broadcast %jit3A : i32 to vector<4096x128xi32>
    %rem3A_17 = arith.remsi %iota3A, %rem3A : vector<4096x128xi32>
    %ne3A_18 = arith.constant 0 : i32
    %ne3A_19 = vector.broadcast %ne3A_18 : i32 to vector<4096x128xi32>
    %ne3A_20 = arith.cmpi ne, %rem3A_17, %ne3A_19 : vector<4096x128xi32>
    %and3A = arith.andi %ne3A_16, %ne3A_20 : vector<4096x128xi1>
    %sub3A = arith.constant 1 : i32
    %sub3A_21 = vector.broadcast %sub3A : i32 to vector<4096x128xi32>
    %sub3A_22 = arith.subi %div3A_0, %sub3A_21 : vector<4096x128xi32>
    %select_n3A = arith.select %and3A, %sub3A_22, %div3A_0 : vector<4096x128xi1>, vector<4096x128xi32>
    %iota3A_23 = tpu.iota {dimensions = array<i32: 0>} : vector<128x32xi32>
    %jit3A_24 = arith.constant 32 : i32
    %eq3A = arith.constant 0 : i32
    %eq3A_25 = arith.cmpi eq, %jit3A_24, %eq3A : i32
    %jit3A_26 = arith.constant 1 : i32
    %select_n3A_27 = arith.select %eq3A_25, %jit3A_26, %jit3A_24 : i32
    %rem3A_28 = vector.broadcast %select_n3A_27 : i32 to vector<128x32xi32>
    %rem3A_29 = arith.remsi %iota3A_23, %rem3A_28 : vector<128x32xi32>
    %ne3A_30 = arith.constant 0 : i32
    %ne3A_31 = vector.broadcast %ne3A_30 : i32 to vector<128x32xi32>
    %ne3A_32 = arith.cmpi ne, %rem3A_29, %ne3A_31 : vector<128x32xi32>
    %lt3A = arith.constant 0 : i32
    %lt3A_33 = vector.broadcast %lt3A : i32 to vector<128x32xi32>
    %lt3A_34 = arith.cmpi slt, %rem3A_29, %lt3A_33 : vector<128x32xi32>
    %lt3A_35 = arith.constant 0 : i32
    %lt3A_36 = arith.cmpi slt, %select_n3A_27, %lt3A_35 : i32
    %ne3A_37 = vector.broadcast %lt3A_36 : i1 to vector<128x32xi1>
    %ne3A_38 = vector.broadcast %ne3A_37 : vector<128x32xi1> to vector<128x32xi1>
    %ne3A_39 = arith.xori %lt3A_34, %ne3A_38 : vector<128x32xi1>
    %and3A_40 = arith.andi %ne3A_39, %ne3A_32 : vector<128x32xi1>
    %add3A = vector.broadcast %select_n3A_27 : i32 to vector<128x32xi32>
    %add3A_41 = arith.addi %rem3A_29, %add3A : vector<128x32xi32>
    %select_n3A_42 = arith.select %and3A_40, %add3A_41, %rem3A_29 : vector<128x32xi1>, vector<128x32xi32>
    %iota3A_43 = tpu.iota {dimensions = array<i32: 1>} : vector<128x32xi32>
    %eq3A_44 = arith.cmpi eq, %select_n3A_42, %iota3A_43 : vector<128x32xi32>
    %convert_element_type3A = arith.extui %eq3A_44 : vector<128x32xi1> to vector<128x32xi32>
    %convert_element_type3A_45 = arith.sitofp %convert_element_type3A : vector<128x32xi32> to vector<128x32xf32>
    %get3A = arith.constant 0 : index
    %get3A_46 = vector.load %arg3[%get3A] : memref<4096xi32, #tpu.memory_space<vmem>>, vector<4096xi32>
    %reshape3A = vector.shape_cast %get3A_46 : vector<4096xi32> to vector<4096x1xi32>
    %lt3A_47 = arith.constant 4 : i32
    %lt3A_48 = vector.broadcast %lt3A_47 : i32 to vector<4096x1xi32>
    %lt3A_49 = arith.cmpi slt, %reshape3A, %lt3A_48 : vector<4096x1xi32>
    %jit3A_50 = arith.constant 16 : i32
    %jit3A_51 = arith.constant 0 : i32
    %broadcast_in_dim3A = vector.broadcast %jit3A_50 : i32 to vector<4096x1xi32>
    %broadcast_in_dim3A_52 = vector.broadcast %jit3A_51 : i32 to vector<4096x1xi32>
    %select_n3A_53 = arith.select %lt3A_49, %broadcast_in_dim3A, %broadcast_in_dim3A_52 : vector<4096x1xi1>, vector<4096x1xi32>
    %get3A_54 = arith.constant 0 : index
    %get3A_55 = arith.constant 0 : index
    %get3A_56 = vector.load %arg1[%get3A_54, %get3A_55] : memref<4096x128xi32, #tpu.memory_space<vmem>>, vector<4096x128xi32>
    %bitcast_convert_type3A = tpu.bitcast %get3A_56 : vector<4096x128xi32> -> vector<4096x128xi32>
    %shift_left3A = vector.broadcast %select_n3A_53 : vector<4096x1xi32> to vector<4096x128xi32>
    %shift_left3A_57 = arith.shli %bitcast_convert_type3A, %shift_left3A : vector<4096x128xi32>
    %and3A_58 = arith.constant -65536 : i32
    %and3A_59 = vector.broadcast %and3A_58 : i32 to vector<4096x128xi32>
    %and3A_60 = arith.andi %shift_left3A_57, %and3A_59 : vector<4096x128xi32>
    %bitcast_convert_type3A_61 = tpu.bitcast %and3A_60 : vector<4096x128xi32> -> vector<4096x128xf32>
    %jit3A_62 = arith.constant 4 : i32
    %eq3A_63 = arith.constant 0 : i32
    %eq3A_64 = arith.cmpi eq, %jit3A_62, %eq3A_63 : i32
    %jit3A_65 = arith.constant 1 : i32
    %select_n3A_66 = arith.select %eq3A_64, %jit3A_65, %jit3A_62 : i32
    %rem3A_67 = vector.broadcast %select_n3A_66 : i32 to vector<4096x1xi32>
    %rem3A_68 = arith.remsi %reshape3A, %rem3A_67 : vector<4096x1xi32>
    %ne3A_69 = arith.constant 0 : i32
    %ne3A_70 = vector.broadcast %ne3A_69 : i32 to vector<4096x1xi32>
    %ne3A_71 = arith.cmpi ne, %rem3A_68, %ne3A_70 : vector<4096x1xi32>
    %lt3A_72 = arith.constant 0 : i32
    %lt3A_73 = vector.broadcast %lt3A_72 : i32 to vector<4096x1xi32>
    %lt3A_74 = arith.cmpi slt, %rem3A_68, %lt3A_73 : vector<4096x1xi32>
    %lt3A_75 = arith.constant 0 : i32
    %lt3A_76 = arith.cmpi slt, %select_n3A_66, %lt3A_75 : i32
    %ne3A_77 = vector.broadcast %lt3A_76 : i1 to vector<4096x1xi1>
    %ne3A_78 = vector.broadcast %ne3A_77 : vector<4096x1xi1> to vector<4096x1xi1>
    %ne3A_79 = arith.xori %lt3A_74, %ne3A_78 : vector<4096x1xi1>
    %and3A_80 = arith.andi %ne3A_79, %ne3A_71 : vector<4096x1xi1>
    %add3A_81 = vector.broadcast %select_n3A_66 : i32 to vector<4096x1xi32>
    %add3A_82 = arith.addi %rem3A_68, %add3A_81 : vector<4096x1xi32>
    %select_n3A_83 = arith.select %and3A_80, %add3A_82, %rem3A_68 : vector<4096x1xi1>, vector<4096x1xi32>
    %eq3A_84 = vector.broadcast %select_n3A_83 : vector<4096x1xi32> to vector<4096x128xi32>
    %eq3A_85 = arith.cmpi eq, %select_n3A, %eq3A_84 : vector<4096x128xi32>
    %jit3A_86 = arith.constant 0.000000e+00 : f32
    %broadcast_in_dim3A_87 = vector.broadcast %jit3A_86 : f32 to vector<4096x128xf32>
    %select_n3A_88 = arith.select %eq3A_85, %bitcast_convert_type3A_61, %broadcast_in_dim3A_87 : vector<4096x128xi1>, vector<4096x128xf32>
    %dot_general3A = arith.constant dense<0.000000e+00> : vector<4096x32xf32>
    %dot_general3A_89 = tpu.matmul %select_n3A_88, %convert_element_type3A_45, %dot_general3A {dimension_numbers = #tpu.dot_dimension_numbers<[1], [0], [0], [1], [0, 0, 1, 1], [], []>, transpose_lhs_hint = false} : vector<4096x128xf32>, vector<128x32xf32>, vector<4096x32xf32> -> vector<4096x32xf32>
    %get3A_90 = arith.constant 0 : index
    %get3A_91 = vector.load %arg4[%get3A_90] : memref<4096xi32, #tpu.memory_space<vmem>>, vector<4096xi32>
    %reshape3A_92 = vector.shape_cast %get3A_91 : vector<4096xi32> to vector<4096x1xi32>
    %lt3A_93 = arith.constant 4 : i32
    %lt3A_94 = vector.broadcast %lt3A_93 : i32 to vector<4096x1xi32>
    %lt3A_95 = arith.cmpi slt, %reshape3A_92, %lt3A_94 : vector<4096x1xi32>
    %jit3A_96 = arith.constant 16 : i32
    %jit3A_97 = arith.constant 0 : i32
    %broadcast_in_dim3A_98 = vector.broadcast %jit3A_96 : i32 to vector<4096x1xi32>
    %broadcast_in_dim3A_99 = vector.broadcast %jit3A_97 : i32 to vector<4096x1xi32>
    %select_n3A_100 = arith.select %lt3A_95, %broadcast_in_dim3A_98, %broadcast_in_dim3A_99 : vector<4096x1xi1>, vector<4096x1xi32>
    %get3A_101 = arith.constant 0 : index
    %get3A_102 = arith.constant 0 : index
    %get3A_103 = vector.load %arg2[%get3A_101, %get3A_102] : memref<4096x128xi32, #tpu.memory_space<vmem>>, vector<4096x128xi32>
    %bitcast_convert_type3A_104 = tpu.bitcast %get3A_103 : vector<4096x128xi32> -> vector<4096x128xi32>
    %shift_left3A_105 = vector.broadcast %select_n3A_100 : vector<4096x1xi32> to vector<4096x128xi32>
    %shift_left3A_106 = arith.shli %bitcast_convert_type3A_104, %shift_left3A_105 : vector<4096x128xi32>
    %and3A_107 = arith.constant -65536 : i32
    %and3A_108 = vector.broadcast %and3A_107 : i32 to vector<4096x128xi32>
    %and3A_109 = arith.andi %shift_left3A_106, %and3A_108 : vector<4096x128xi32>
    %bitcast_convert_type3A_110 = tpu.bitcast %and3A_109 : vector<4096x128xi32> -> vector<4096x128xf32>
    %jit3A_111 = arith.constant 4 : i32
    %eq3A_112 = arith.constant 0 : i32
    %eq3A_113 = arith.cmpi eq, %jit3A_111, %eq3A_112 : i32
    %jit3A_114 = arith.constant 1 : i32
    %select_n3A_115 = arith.select %eq3A_113, %jit3A_114, %jit3A_111 : i32
    %rem3A_116 = vector.broadcast %select_n3A_115 : i32 to vector<4096x1xi32>
    %rem3A_117 = arith.remsi %reshape3A_92, %rem3A_116 : vector<4096x1xi32>
    %ne3A_118 = arith.constant 0 : i32
    %ne3A_119 = vector.broadcast %ne3A_118 : i32 to vector<4096x1xi32>
    %ne3A_120 = arith.cmpi ne, %rem3A_117, %ne3A_119 : vector<4096x1xi32>
    %lt3A_121 = arith.constant 0 : i32
    %lt3A_122 = vector.broadcast %lt3A_121 : i32 to vector<4096x1xi32>
    %lt3A_123 = arith.cmpi slt, %rem3A_117, %lt3A_122 : vector<4096x1xi32>
    %lt3A_124 = arith.constant 0 : i32
    %lt3A_125 = arith.cmpi slt, %select_n3A_115, %lt3A_124 : i32
    %ne3A_126 = vector.broadcast %lt3A_125 : i1 to vector<4096x1xi1>
    %ne3A_127 = vector.broadcast %ne3A_126 : vector<4096x1xi1> to vector<4096x1xi1>
    %ne3A_128 = arith.xori %lt3A_123, %ne3A_127 : vector<4096x1xi1>
    %and3A_129 = arith.andi %ne3A_128, %ne3A_120 : vector<4096x1xi1>
    %add3A_130 = vector.broadcast %select_n3A_115 : i32 to vector<4096x1xi32>
    %add3A_131 = arith.addi %rem3A_117, %add3A_130 : vector<4096x1xi32>
    %select_n3A_132 = arith.select %and3A_129, %add3A_131, %rem3A_117 : vector<4096x1xi1>, vector<4096x1xi32>
    %eq3A_133 = vector.broadcast %select_n3A_132 : vector<4096x1xi32> to vector<4096x128xi32>
    %eq3A_134 = arith.cmpi eq, %select_n3A, %eq3A_133 : vector<4096x128xi32>
    %jit3A_135 = arith.constant 0.000000e+00 : f32
    %broadcast_in_dim3A_136 = vector.broadcast %jit3A_135 : f32 to vector<4096x128xf32>
    %select_n3A_137 = arith.select %eq3A_134, %bitcast_convert_type3A_110, %broadcast_in_dim3A_136 : vector<4096x128xi1>, vector<4096x128xf32>
    %dot_general3A_138 = arith.constant dense<0.000000e+00> : vector<4096x32xf32>
    %dot_general3A_139 = tpu.matmul %select_n3A_137, %convert_element_type3A_45, %dot_general3A_138 {dimension_numbers = #tpu.dot_dimension_numbers<[1], [0], [0], [1], [0, 0, 1, 1], [], []>, transpose_lhs_hint = false} : vector<4096x128xf32>, vector<128x32xf32>, vector<4096x32xf32> -> vector<4096x32xf32>
    %concatenate3A = tpu.concatenate %dot_general3A_89, %dot_general3A_139 in 1 : vector<4096x32xf32>, vector<4096x32xf32> -> vector<4096x64xf32>
    %get3A_140 = arith.constant 0 : index
    %get3A_141 = arith.constant 0 : index
    %get3A_142 = vector.load %arg5[%get3A_140, %get3A_141] : memref<64x64xf32, #tpu.memory_space<vmem>>, vector<64x64xf32>
    %dot_general3A_143 = arith.constant dense<0.000000e+00> : vector<4096x64xf32>
    %dot_general3A_144 = tpu.matmul %concatenate3A, %get3A_142, %dot_general3A_143 {dimension_numbers = #tpu.dot_dimension_numbers<[1], [0], [0], [1], [0, 0, 1, 1], [], []>, transpose_lhs_hint = false} : vector<4096x64xf32>, vector<64x64xf32>, vector<4096x64xf32> -> vector<4096x64xf32>
    %get3A_145 = arith.constant 0 : index
    %get3A_146 = arith.constant 0 : index
    %get3A_147 = vector.load %arg6[%get3A_145, %get3A_146] : memref<1x64xf32, #tpu.memory_space<vmem>>, vector<1x64xf32>
    %add3A_148 = vector.broadcast %get3A_147 : vector<1x64xf32> to vector<4096x64xf32>
    %add3A_149 = arith.addf %dot_general3A_144, %add3A_148 : vector<4096x64xf32>
    %max3A = arith.constant 0.000000e+00 : f32
    %max3A_150 = vector.broadcast %max3A : f32 to vector<4096x64xf32>
    %max3A_151 = arith.maximumf %add3A_149, %max3A_150 : vector<4096x64xf32>
    %get3A_152 = arith.constant 0 : index
    %get3A_153 = arith.constant 0 : index
    %get3A_154 = vector.load %arg7[%get3A_152, %get3A_153] : memref<64x32xf32, #tpu.memory_space<vmem>>, vector<64x32xf32>
    %dot_general3A_155 = arith.constant dense<0.000000e+00> : vector<4096x32xf32>
    %dot_general3A_156 = tpu.matmul %max3A_151, %get3A_154, %dot_general3A_155 {dimension_numbers = #tpu.dot_dimension_numbers<[1], [0], [0], [1], [0, 0, 1, 1], [], []>, transpose_lhs_hint = false} : vector<4096x64xf32>, vector<64x32xf32>, vector<4096x32xf32> -> vector<4096x32xf32>
    %get3A_157 = arith.constant 0 : index
    %get3A_158 = arith.constant 0 : index
    %get3A_159 = vector.load %arg8[%get3A_157, %get3A_158] : memref<1x32xf32, #tpu.memory_space<vmem>>, vector<1x32xf32>
    %add3A_160 = vector.broadcast %get3A_159 : vector<1x32xf32> to vector<4096x32xf32>
    %add3A_161 = arith.addf %dot_general3A_156, %add3A_160 : vector<4096x32xf32>
    %max3A_162 = arith.constant 0.000000e+00 : f32
    %max3A_163 = vector.broadcast %max3A_162 : f32 to vector<4096x32xf32>
    %max3A_164 = arith.maximumf %add3A_161, %max3A_163 : vector<4096x32xf32>
    %get3A_165 = arith.constant 0 : index
    %get3A_166 = arith.constant 0 : index
    %get3A_167 = vector.load %arg9[%get3A_165, %get3A_166] : memref<1x32xf32, #tpu.memory_space<vmem>>, vector<1x32xf32>
    %mul3A = vector.broadcast %get3A_167 : vector<1x32xf32> to vector<4096x32xf32>
    %mul3A_168 = arith.mulf %max3A_164, %mul3A : vector<4096x32xf32>
    %reduce_sum3A = arith.constant dense<0.000000e+00> : vector<4096xf32>
    %reduce_sum3A_169 = vector.multi_reduction <add>, %mul3A_168, %reduce_sum3A [1] : vector<4096x32xf32> to vector<4096xf32>
    %get3A_170 = arith.constant 0 : index
    %get3A_171 = arith.constant 0 : index
    %get3A_172 = memref.load %arg10[%get3A_170, %get3A_171] : memref<1x1xf32, #tpu.memory_space<smem>>
    %add3A_173 = vector.broadcast %get3A_172 : f32 to vector<4096xf32>
    %add3A_174 = arith.addf %reduce_sum3A_169, %add3A_173 : vector<4096xf32>
    %logistic3A = arith.negf %add3A_174 : vector<4096xf32>
    %logistic3A_175 = math.exp %logistic3A : vector<4096xf32>
    %logistic3A_176 = arith.constant 1.000000e+00 : f32
    %logistic3A_177 = vector.broadcast %logistic3A_176 : f32 to vector<4096xf32>
    %logistic3A_178 = arith.addf %logistic3A_177, %logistic3A_175 : vector<4096xf32>
    %logistic3A_179 = arith.divf %logistic3A_177, %logistic3A_178 : vector<4096xf32>
    %swap3A = arith.constant 0 : index
    %swap3A_180 = vector.load %arg11[%swap3A] : memref<4096xf32, #tpu.memory_space<vmem>>, vector<4096xf32>
    tpu.vector_store %arg11[%swap3A], %logistic3A_179 {strides = array<i32>} : memref<4096xf32, #tpu.memory_space<vmem>>, vector<4096xf32>,
    return
  }
  func.func @transform_0(%arg0: i32) -> (i32, i32) {
    %c0_i32 = arith.constant 0 : i32
    %c0_i32_0 = arith.constant 0 : i32
    return %arg0, %c0_i32 : i32, i32
  }
  func.func @transform_1(%arg0: i32) -> (i32, i32) {
    %c0_i32 = arith.constant 0 : i32
    %c0_i32_0 = arith.constant 0 : i32
    return %arg0, %c0_i32 : i32, i32
  }
  func.func @transform_2(%arg0: i32) -> i32 {
    %c0_i32 = arith.constant 0 : i32
    return %arg0 : i32
  }
  func.func @transform_3(%arg0: i32) -> i32 {
    %c0_i32 = arith.constant 0 : i32
    return %arg0 : i32
  }
  func.func @transform_4(%arg0: i32) -> (i32, i32) {
    %c0_i32 = arith.constant 0 : i32
    %c0_i32_0 = arith.constant 0 : i32
    %c0_i32_1 = arith.constant 0 : i32
    return %c0_i32, %c0_i32_0 : i32, i32
  }
  func.func @transform_5(%arg0: i32) -> (i32, i32) {
    %c0_i32 = arith.constant 0 : i32
    %c0_i32_0 = arith.constant 0 : i32
    %c0_i32_1 = arith.constant 0 : i32
    return %c0_i32, %c0_i32_0 : i32, i32
  }
  func.func @transform_6(%arg0: i32) -> (i32, i32) {
    %c0_i32 = arith.constant 0 : i32
    %c0_i32_0 = arith.constant 0 : i32
    %c0_i32_1 = arith.constant 0 : i32
    return %c0_i32, %c0_i32_0 : i32, i32
  }
  func.func @transform_7(%arg0: i32) -> (i32, i32) {
    %c0_i32 = arith.constant 0 : i32
    %c0_i32_0 = arith.constant 0 : i32
    %c0_i32_1 = arith.constant 0 : i32
    return %c0_i32, %c0_i32_0 : i32, i32
  }
  func.func @transform_8(%arg0: i32) -> (i32, i32) {
    %c0_i32 = arith.constant 0 : i32
    %c0_i32_0 = arith.constant 0 : i32
    %c0_i32_1 = arith.constant 0 : i32
    return %c0_i32, %c0_i32_0 : i32, i32
  }
  func.func @transform_9(%arg0: i32) -> (i32, i32) {
    %c0_i32 = arith.constant 0 : i32
    %c0_i32_0 = arith.constant 0 : i32
    %c0_i32_1 = arith.constant 0 : i32
    return %c0_i32, %c0_i32_0 : i32, i32
  }
  func.func @transform_10(%arg0: i32) -> i32 {
    %c0_i32 = arith.constant 0 : i32
    return %arg0 : i32
  }
}

</mosaic_0001>

<sc_bundles>
// kernel: kernel.10.cloned.1.call-start
scs
__scs_entry_jumppad:
0x0: {  	(pc) =	sbr.rel $0x88, $3  }
0x1: {  	(tag) =	ssettag $0x0;
	lr =	simm.s32 $0x1  }
0x2: {  	[smem:$0x3F97] =	sst lr;
	_ =	strace $0xD0000000  }
0x3: {  	_ = 	snop  }
0x4: {  	_ = 	snop  }
0x5: {  	_ = 	snop  }
0x6: {  	_ = 	snop  }
0x7: {  	_ = 	snop  }
__scs_overlays_trampoline_lowered:
0x8: {  	[smem:$0x3FA6] =	sst s0  }
0x9: {  	[smem:$0x3FA7] =	sst s1  }
0xa: {  	[smem:$0x3FA8] =	sst s2  }
0xb: {  	[smem:$0x3FA9] =	sst s3  }
0xc: {  	[smem:$0x3FAA] =	sst s4  }
0xd: {  	[smem:$0x3FAB] =	sst s5  }
0xe: {  	[smem:$0x3FAC] =	sst s6  }
0xf: {  	[smem:$0x3FAD] =	sst s7  }
0x10: {  	[smem:$0x3FAE] =	sst s8  }
0x11: {  	[smem:$0x3FAF] =	sst s9;
	s0 =	simm.s32 @!p0 $0x0  }
0x12: {  	s1 =	sld [smem:$0x3F95];
	s0 =	simm.s32 @p0 $0x1  }
0x13: {  	[smem:$0x3FB0] =	sst s0;
	s0 =	simm.s32 @!p1 $0x0  }
0x14: {  	s2 =	sld [smem:$0x3F94];
	s0 =	simm.s32 @p1 $0x1  }
0x15: {  	[smem:$0x3FB1] =	sst s0;
	s0 =	simm.s32 @!p2 $0x0  }
0x16: {  	s3 =	sld [smem:$0x3FDB];
	s0 =	simm.s32 @p2 $0x1  }
0x17: {  	s4 =	simm.s32 $0x1BF5;
	[smem:$0x3FB3] =	sst s0  }
0x18: {  	s0 =	sld [smem:$0x3F96];
	_ =	swait.ge [sflag:s4], $0x0  }
0x19: {  	s7 =	sld [smem:$0x3F97]  }
0x1a: {  	s8 =	sadd.s32 $0xFFFFE003, lr  }
0x1b: {  	s9 =	sadd.s32 $0xFFFFFEF7, lr;
	s5 =	simm.s32 $0xFFFFFFFF;
	p2 =	slt.u32 s8, $0xFFFFF086  }
0x1c: {  	p1 =	slt.u32 s9, $0xF7A;
	s5 =	simm.s32 @!p2 $0x0  }
0x1d: {  	s5 =	simm.s32 @p1 $0x1;
	p0 =	seq.s32 s7, s2  }
0x1e: {  	s7 =	smul.u32 @!p0 $0xF7A, s2;
	p2 =	seq.s32 @!p0 s5, $0x0  }
0x1f: {  	s9 =	smul.u32 $0xF7A, s1;
	s8 =	simm.s32 @!p0 $0x1BF5;
	p2 =	por !p2, p0  }
0x20: {  	[sflag:s8] =	ssyncset.s32 @!p0 $0xFFFFF086;
	s6 =	sadd.s32 @!p0 s3, s7;
	s7 =	simm.s32 @!p0 $0x108  }
0x21: {  	s3 =	sadd.s32 s3, s9;
	s6 =	sadd.s32 @!p0 $0x88, s6;
	s7 =	simm.s32 @p2 $0x1082  }
0x22: {  	[simem:s7], [sflag:s8] =	dma.local @!p0 [hbm:s6], $0xF7A  }
0x23: {  	s9 =	sor.u32 $0xD0000000, s2;
	s6 =	simm.s32 $0x108;
	_ =	swait.ge @!p0 [sflag:s8], $0x0  }
0x24: {  	s3 =	sadd.s32 $0x88, s3;
	s6 =	simm.s32 @!p1 $0x1082;
	[sflag:s4] =	ssyncset.s32 $0xFFFFF086  }
0x25: {  	[simem:s6], [sflag:s4] =	dma.local [hbm:s3], $0xF7A  }
0x26: {  	[smem:$0x3F97] =	sst s1;
	(tag) =	ssettag s2;
	_ =	strace s9  }
0x27: {  	s1 =	sld [smem:$0x3FA7]  }
0x28: {  	s2 =	sld [smem:$0x3FA8]  }
0x29: {  	s4 =	sld [smem:$0x3FAA]  }
0x2a: {  	p0 =	seq.s32 s5, $0x0;
	s5 =	sld [smem:$0x3FAB]  }
0x2b: {  	s6 =	sld [smem:$0x3FAC]  }
0x2c: {  	s7 =	sld [smem:$0x3FAD]  }
0x2d: {  	s3 =	simm.s32 $0x108;
	s8 =	sld [smem:$0x3FAE]  }
0x2e: {  	s3 =	simm.s32 @!p0 $0x1082;
	s9 =	sld [smem:$0x3FAF]  }
0x2f: {  	lr =	sadd.s32 s0, s3;
	s0 =	sld [smem:$0x3FA6]  }
0x30: {  	s3 =	sld [smem:$0x3FA9]  }
0x31: {  	[smem:$0x3FB2] =	sst s10  }
0x32: {  	s10 =	sld [smem:$0x3FB0];
	_ =	sdelay $0x3  }
0x33: {  	p0 =	seq.s32 s10, $0x1;
	s10 =	sld [smem:$0x3FB2];
	_ =	sdelay $0x3  }
0x34: {  	[smem:$0x3FB2] =	sst s10  }
0x35: {  	s10 =	sld [smem:$0x3FB1];
	_ =	sdelay $0x3  }
0x36: {  	p1 =	seq.s32 s10, $0x1;
	s10 =	sld [smem:$0x3FB2];
	_ =	sdelay $0x3  }
0x37: {  	[smem:$0x3FB2] =	sst s10  }
0x38: {  	s10 =	sld [smem:$0x3FB3]  }
0x39: {  	_ = 	snop;
	(pc) =	sbr.ind lr, $3  }
0x3a: {  	_ = 	snop  }
0x3b: {  	_ = 	snop  }
0x3c: {  	p2 =	seq.s32 s10, $0x1;
	s10 =	sld [smem:$0x3FB2]  }
0x3d: {  	_ =	shalt  }
0x3e: {  	_ =	shalt  }
0x3f: {  	_ =	shalt  }
0x40: {  	_ =	shalt  }
0x41: {  	_ =	shalt  }
0x42: {  	_ =	shalt  }
0x43: {  	_ =	shalt  }
0x44: {  	_ =	shalt  }
0x45: {  	_ =	shalt  }
0x46: {  	_ =	shalt  }
0x47: {  	_ =	shalt  }
0x48: {  	_ =	shalt  }
0x49: {  	_ =	shalt  }
0x4a: {  	_ =	shalt  }
0x4b: {  	_ =	shalt  }
0x4c: {  	_ =	shalt  }
0x4d: {  	_ =	shalt  }
0x4e: {  	_ =	shalt  }
0x4f: {  	_ =	shalt  }
0x50: {  	_ =	shalt  }
0x51: {  	_ =	shalt  }
0x52: {  	_ =	shalt  }
0x53: {  	_ =	shalt  }
0x54: {  	_ =	shalt  }
0x55: {  	_ =	shalt  }
0x56: {  	_ =	shalt  }
0x57: {  	_ =	shalt  }
0x58: {  	_ =	shalt  }
0x59: {  	_ =	shalt  }
0x5a: {  	_ =	shalt  }
0x5b: {  	_ =	shalt  }
0x5c: {  	_ =	shalt  }
0x5d: {  	_ =	shalt  }
0x5e: {  	_ =	shalt  }
0x5f: {  	_ =	shalt  }
0x60: {  	_ =	shalt  }
0x61: {  	_ =	shalt  }
0x62: {  	_ =	shalt  }
0x63: {  	_ =	shalt  }
0x64: {  	_ =	shalt  }
0x65: {  	_ =	shalt  }
0x66: {  	_ =	shalt  }
0x67: {  	_ =	shalt  }
0x68: {  	_ =	shalt  }
0x69: {  	_ =	shalt  }
0x6a: {  	_ =	shalt  }
0x6b: {  	_ =	shalt  }
0x6c: {  	_ =	shalt  }
0x6d: {  	_ =	shalt  }
0x6e: {  	_ =	shalt  }
0x6f: {  	_ =	shalt  }
0x70: {  	_ =	shalt  }
0x71: {  	_ =	shalt  }
0x72: {  	_ =	shalt  }
0x73: {  	_ =	shalt  }
0x74: {  	_ =	shalt  }
0x75: {  	_ =	shalt  }
0x76: {  	_ =	shalt  }
0x77: {  	_ =	shalt  }
0x78: {  	_ =	shalt  }
0x79: {  	_ =	shalt  }
0x7a: {  	_ =	shalt  }
0x7b: {  	_ =	shalt  }
0x7c: {  	_ =	shalt  }
0x7d: {  	_ =	shalt  }
0x7e: {  	_ =	shalt  }
0x7f: {  	_ =	shalt  }
0x80: {  	_ =	shalt  }
0x81: {  	_ =	shalt  }
0x82: {  	_ =	shalt  }
0x83: {  	_ =	shalt  }
0x84: {  	_ =	shalt  }
0x85: {  	_ =	shalt  }
0x86: {  	_ =	shalt  }
0x87: {  	_ =	shalt  }
.Lfunc_end0:
.L_simem_size_0:
called_computation.1_lowered:
.L_overlay_start_0:
0x88: {  	s2 =	sld [smem:$0x3FD9]  }
0x89: {  	s3 =	sld [smem:$0x3FFE];
	_ =	sdelay $0x1  }
0x8a: {  	s1 =	srdreg.scid  }
0x8b: {  	s0 =	sand.u32 $0x1, s1  }
0x8c: {  	s16 =	sshll.u32 s0, $0xA;
	s2 =	sadd.s32 s3, s2  }
0x8d: {  	s2 =	sadd.s32 s2, s16  }
0x8e: {  	[smem:$0x3FBE] =	sst s2  }
0x8f: {  	_ = 	snop  }
0x90: {  	(tm) =	ssettm $0x1  }
0x91: {  	s17 =	sld [smem:$0x3FFB];
	_ =	sdelay $0x3  }
0x92: {  	_ =	strace s17  }
0x93: {  	s2 =	sld [smem:$0x3FFC];
	_ =	sdelay $0x3  }
0x94: {  	_ =	strace s2  }
0x95: {  	s2 =	sld [smem:$0x3FFD];
	_ =	sdelay $0x3  }
0x96: {  	_ =	strace s2  }
0x97: {  	_ =	strace $0x8FFFFFFF  }
0x98: {  	s18 =	sld [smem:$0x3FDB];
	_ =	sdelay $0x1  }
0x99: {  	s19 =	simm.s32 $_scs_section_size  }
0x9a: {  	s4 =	simm.s32 $_size__tile_overlayer_lowered;
	s5 =	simm.s32 $_tile_overlayer_lowered  }
0x9b: {  	s22 =	simm.s32 $0x1BFF;
	s21 =	sshll.u32 s5, $0x1;
	s2 =	sadd.s32 s19, s18  }
0x9c: {  	s6 =	simm.s32 $0x0;
	s20 =	sshll.u32 s4, $0x1;
	s4 =	sadd.s32 s21, s2  }
0x9d: {  	[timem:s6], [sflag:s22] =	dma.local [hbm:s4], s20  }
0x9e: {  	_ =	swait.ge [sflag:s22], s20  }
0x9f: {  	s3 =	ssub.s32 $0x0, s20;
	[sflag:s22] =	ssyncset.done $0x0  }
0xa0: {  	[sflag:s22] =	ssyncadd.s32 s3;
	_ =	sdelay $0x1  }
0xa1: {  	s23 =	simm.s32 $0x1B8B  }
0xa2: {  	_ =	swait.ge [sflag:s23], $0x1  }
0xa3: {  	[sflag:s23] =	ssyncset.done $0x0  }
0xa4: {  	s25 =	simm.s32 $0x1B8E;
	s24 =	sld [smem:$0x3FFE];
	[sflag:s23] =	ssyncadd.s32 $0xFFFFFFFF  }
0xa5: {  	s26 =	simm.s32 $execute0_lowered;
	[smem:$0x3FD2] =	sst s25  }
0xa6: {  	s4 =	sshll.u32 s26, $0x1;
	_ =	strace $0x80000046;
	[dreg:$0x1] =	wrdreg $0xFFFFFFFF  }
0xa7: {  	s28 =	simm.s32 $_size_execute0_lowered;
	s2 =	sadd.s32 s2, s4;
	[dreg:$0x0] =	wrdreg $0x0  }
0xa8: {  	s4 =	sshll.u32 s28, $0x1;
	[dreg:$0x2] =	wrdreg s2  }
0xa9: {  	[dreg:$0x3] =	wrdreg s4  }
0xaa: {  	[dreg:$0x4] =	wrdreg $0xC0  }
0xab: {  	_ =	task [dreg:s6], $0x5FFFF  }
0xac: {  	[dreg:$0x1] =	wrdreg $0xFFFFFFFF  }
0xad: {  	[dreg:$0x0] =	wrdreg $0x60  }
0xae: {  	[dreg:$0x2] =	wrdreg s24  }
0xaf: {  	[dreg:$0x3] =	wrdreg $0xA  }
0xb0: {  	_ =	task.clear_ibuf [dreg:s6], $0x4FFFF;
	_ =	strace $0x90000046  }
0xb1: {  	s29 =	simm.s32 $0xA;
	_ =	strace $0x80000048  }
0xb2: {  	_ =	swait.ge [sflag:s29], $0x1  }
0xb3: {  	[sflag:s29] =	ssyncadd.s32 $0xFFFFFFFF  }
0xb4: {  	_ =	strace $0x90000048  }
0xb5: {  	_ =	sfence  }
0xb6: {  	s30 =	sld [smem:$0x0];
	_ =	sdelay $0x2  }
0xb7: {  	s31 =	sshll.u32 s1, $0xD;
	s1 =	sshrl.u32 s1, $0x2  }
0xb8: {  	s3 =	sand.u32 $0x4000, s31;
	s1 =	sadd.s32 s1, s30  }
0xb9: {  	s0 =	sor.u32 s3, s0;
	s1 =	sshll.u32 s1, $0x11  }
0xba: {  	s0 =	sor.u32 s1, s0  }
0xbb: {  	s0 =	sadd.s32 $0x8F2B, s0  }
0xbc: {  	[sflag:s0] =	ssyncadd.remote.s32 $0x1  }
0xbd: {  	_ =	sfence.sel $0xFFFF  }
0xbe: {  	[dreg:$0x0] =	wrdreg $0xFFFFFFFF;
	(pc) =	sbr.abs _section_cstart, $3  }
0xbf: {  	[dreg:$0x1] =	wrdreg $0xFFFFFFFF  }
0xc0: {  	_ =	task.clear_ibuf [dreg:s6], $0x2FFFF;
	_ =	strace $0x9FFFFFFF  }
0xc1: {  	(tm) =	ssettm $0x7FFFFFFF  }
tec
execute0_lowered:
.L_overlay_start_1:
0x0: {  	(tag) =	ssettag $0x1  }
0x1: {  	s1 =	srdreg.scid  }
0x2: {  	s0 =	stileid.u32;
	s16 =	sand.u32 $0x1, s1  }
0x3: {  	s31 =	sshll.u32 s0, $0xA;
	s2 =	sshll.u32 s16, $0x9  }
0x4: {  	s14 =	rddreg [dreg:$0x0];
	s15 =	sor.u32 s2, s31  }
0x5: {  	s1 =	rddreg [dreg:$0x1];
	s2 =	simm.s32 $0x0;
	s3 =	sshrl.u32 s15, $0x3  }
0x6: {  	[smem:$0x7FF] =	sst s2;
	s3 =	sadd.s32 s3, s14  }
0x7: {  	_ =	strace $0x80000047;
	s4 =	sadd.s32 $0x1F6000, s3;
	s3 =	simm.s32 $0x2  }
0x8: {  	[tilespmem:s2], [sflag:$0x2] =	stream.linear.gather [hbm4b:s4+s2], $0x200, $0x38;
	[tilespmem:$0x10200] =	vst v63  }
0x9: {  	_ =	swait.ge [sflag:s3], $0x200  }
0xa: {  	s6 =	simm.s32 $0x80;
	[sflag:s3] =	ssyncset.done $0x0  }
0xb: {  	s7 =	simm.s32 $0x200;
	s5 =	sadd.s32 $0x2000, s14;
	[sflag:s3] =	ssyncadd.s32 $0xFFFFFE00  }
0xc: {  	[tilespmem:s7], [sflag:$0x1] =	stream.indirect.gather [hbm4b:s5+s6], $0x80, s2, s6, $0xb8;
	[tilespmem:$0x10200] =	vst v63  }
0xd: {  	s8 =	simm.s32 $0x4200  }
0xe: {  	[tilespmem:s8], [sflag:$0x1] =	stream.indirect.gather [hbm4b:s5+s6], $0x80, s6, s6, $0xb8;
	[tilespmem:$0x10200] =	vst v63  }
0xf: {  	s9 =	simm.s32 $0x100;
	s10 =	simm.s32 $0x8200  }
0x10: {  	[tilespmem:s10], [sflag:$0x1] =	stream.indirect.gather [hbm4b:s5+s6], $0x80, s9, s6, $0xb8;
	[tilespmem:$0x10200] =	vst v63  }
0x11: {  	s11 =	simm.s32 $0x180;
	s12 =	simm.s32 $0xC200;
	s13 =	simm.s32 $0x1  }
0x12: {  	[tilespmem:s12], [sflag:$0x1] =	stream.indirect.gather [hbm4b:s5+s6], $0x80, s11, s6, $0xb8;
	[tilespmem:$0x10200] =	vst v63  }
0x13: {  	_ =	swait.ge [sflag:s13], $0x4000  }
0x14: {  	[sflag:s13] =	ssyncset.done $0x0  }
0x15: {  	[sflag:s13] =	ssyncadd.s32 $0xFFFFC000  }
0x16: {  	_ =	swait.ge [sflag:s13], $0x4000  }
0x17: {  	[sflag:s13] =	ssyncset.done $0x0  }
0x18: {  	[sflag:s13] =	ssyncadd.s32 $0xFFFFC000  }
0x19: {  	_ =	swait.ge [sflag:s13], $0x4000  }
0x1a: {  	[sflag:s13] =	ssyncset.done $0x0  }
0x1b: {  	[sflag:s13] =	ssyncadd.s32 $0xFFFFC000  }
0x1c: {  	s15 =	sshll.u32 s15, $0x4;
	_ =	swait.ge [sflag:s13], $0x4000  }
0x1d: {  	s17 =	sadd.s32 s15, s14;
	[sflag:s13] =	ssyncset.done $0x0  }
0x1e: {  	s14 =	sadd.s32 $0x1F6800, s17;
	[sflag:s13] =	ssyncadd.s32 $0xFFFFC000  }
0x1f: {  	[hbm4b:s14+s2] =	stream.linear.scatter [tilespmem:s7], [sflag:$0x2], $0x4000, $0x38;
	[tilespmem:$0x10200] =	vst v63  }
0x20: {  	_ =	swait.ge [sflag:s3], $0x4000  }
0x21: {  	[sflag:s3] =	ssyncset.done $0x0  }
0x22: {  	s18 =	ssub.s32 $0x2, s16;
	s15 =	sadd.s32 $0x1F7000, s17;
	[sflag:s3] =	ssyncadd.s32 $0xFFFFC000  }
0x23: {  	[hbm4b:s15+s2] =	stream.linear.scatter [tilespmem:s8], [sflag:$0x2], $0x4000, $0x38;
	[tilespmem:$0x10200] =	vst v63  }
0x24: {  	s19 =	sshrl.u32 s18, $0x1;
	_ =	swait.ge [sflag:s3], $0x4000  }
0x25: {  	s18 =	ssub.s32 s18, s19;
	[sflag:s3] =	ssyncset.done $0x0  }
0x26: {  	s18 =	smax.u32 s18, $0x1;
	s16 =	sadd.s32 $0x1F7800, s17;
	[sflag:s3] =	ssyncadd.s32 $0xFFFFC000  }
0x27: {  	[hbm4b:s16+s2] =	stream.linear.scatter [tilespmem:s10], [sflag:$0x2], $0x4000, $0x38;
	[tilespmem:$0x10200] =	vst v63  }
0x28: {  	p0 =	sne.s32 s18, $0x1;
	_ =	swait.ge [sflag:s3], $0x4000  }
.Ltmp0:
0x29: {  	[sflag:s3] =	ssyncset.done $0x0;
	(pc) =	sbr.rel @!p0 .LBB2_2-.Ltmp0, $4  }
0x2a: {  	s17 =	sadd.s32 $0x1F8000, s17;
	[sflag:s3] =	ssyncadd.s32 $0xFFFFC000  }
0x2b: {  	[hbm4b:s17+s2] =	stream.linear.scatter [tilespmem:s12], [sflag:$0x2], $0x4000, $0x38;
	[tilespmem:$0x10200] =	vst v63  }
0x2c: {  	_ =	swait.ge [sflag:s3], $0x4000  }
0x2d: {  	s18 =	sadd.s32 $0xFFFFFFFF, s18;
	[sflag:s3] =	ssyncset.done $0x0  }
.LBB2_1:
0x2e: {  	p0 =	sne.s32 s18, $0x1;
	s18 =	sadd.s32 $0xFFFFFFFF, s18;
	[sflag:s3] =	ssyncadd.s32 $0xFFFFC000  }
0x2f: {  	[tilespmem:s2], [sflag:$0x2] =	stream.linear.gather [hbm4b:s4+s2], $0x200, $0x38;
	[tilespmem:$0x10200] =	vst v63  }
0x30: {  	_ =	swait.ge [sflag:s3], $0x200  }
0x31: {  	[sflag:s3] =	ssyncset.done $0x0  }
0x32: {  	[sflag:s3] =	ssyncadd.s32 $0xFFFFFE00  }
0x33: {  	[tilespmem:s7], [sflag:$0x1] =	stream.indirect.gather [hbm4b:s5+s6], $0x80, s2, s6, $0xb8;
	[tilespmem:$0x10200] =	vst v63  }
0x34: {  	_ = 	snop  }
0x35: {  	[tilespmem:s8], [sflag:$0x1] =	stream.indirect.gather [hbm4b:s5+s6], $0x80, s6, s6, $0xb8;
	[tilespmem:$0x10200] =	vst v63  }
0x36: {  	_ = 	snop  }
0x37: {  	[tilespmem:s10], [sflag:$0x1] =	stream.indirect.gather [hbm4b:s5+s6], $0x80, s9, s6, $0xb8;
	[tilespmem:$0x10200] =	vst v63  }
0x38: {  	_ = 	snop  }
0x39: {  	[tilespmem:s12], [sflag:$0x1] =	stream.indirect.gather [hbm4b:s5+s6], $0x80, s11, s6, $0xb8;
	[tilespmem:$0x10200] =	vst v63  }
0x3a: {  	_ =	swait.ge [sflag:s13], $0x4000  }
0x3b: {  	[sflag:s13] =	ssyncset.done $0x0  }
0x3c: {  	[sflag:s13] =	ssyncadd.s32 $0xFFFFC000  }
0x3d: {  	_ =	swait.ge [sflag:s13], $0x4000  }
0x3e: {  	[sflag:s13] =	ssyncset.done $0x0  }
0x3f: {  	[sflag:s13] =	ssyncadd.s32 $0xFFFFC000  }
0x40: {  	_ =	swait.ge [sflag:s13], $0x4000  }
0x41: {  	[sflag:s13] =	ssyncset.done $0x0  }
0x42: {  	[sflag:s13] =	ssyncadd.s32 $0xFFFFC000  }
0x43: {  	_ =	swait.ge [sflag:s13], $0x4000  }
0x44: {  	[sflag:s13] =	ssyncset.done $0x0  }
0x45: {  	[sflag:s13] =	ssyncadd.s32 $0xFFFFC000  }
0x46: {  	[hbm4b:s14+s2] =	stream.linear.scatter [tilespmem:s7], [sflag:$0x2], $0x4000, $0x38;
	[tilespmem:$0x10200] =	vst v63  }
0x47: {  	_ =	swait.ge [sflag:s3], $0x4000  }
0x48: {  	[sflag:s3] =	ssyncset.done $0x0  }
0x49: {  	[sflag:s3] =	ssyncadd.s32 $0xFFFFC000  }
0x4a: {  	[hbm4b:s15+s2] =	stream.linear.scatter [tilespmem:s8], [sflag:$0x2], $0x4000, $0x38;
	[tilespmem:$0x10200] =	vst v63  }
0x4b: {  	_ =	swait.ge [sflag:s3], $0x4000  }
0x4c: {  	[sflag:s3] =	ssyncset.done $0x0  }
0x4d: {  	[sflag:s3] =	ssyncadd.s32 $0xFFFFC000  }
0x4e: {  	[hbm4b:s16+s2] =	stream.linear.scatter [tilespmem:s10], [sflag:$0x2], $0x4000, $0x38;
	[tilespmem:$0x10200] =	vst v63  }
0x4f: {  	_ =	swait.ge [sflag:s3], $0x4000  }
.Ltmp1:
0x50: {  	[sflag:s3] =	ssyncset.done $0x0;
	(pc) =	sbr.rel @p0 .LBB2_1-.Ltmp1, $4  }
0x51: {  	[sflag:s3] =	ssyncadd.s32 $0xFFFFC000  }
0x52: {  	[hbm4b:s17+s2] =	stream.linear.scatter [tilespmem:s12], [sflag:$0x2], $0x4000, $0x38;
	[tilespmem:$0x10200] =	vst v63  }
0x53: {  	_ =	swait.ge [sflag:s3], $0x4000  }
0x54: {  	[sflag:s3] =	ssyncset.done $0x0  }
.LBB2_2:
0x55: {  	[sflag:s3] =	ssyncadd.s32 $0xFFFFC000  }
0x56: {  	_ =	sfence.sel $0x180000  }
0x57: {  	[bflag:$0x0] =	sbarrier.arrive $0xFFFF  }
0x58: {  	p0 =	sne.s32 s0, $0x0;
	_ =	strace $0x90000047  }
0x59: {  	s0 =	sadd.s32 @!p0 $0x100000, s1;
	[bflag:$0x2] =	sbarrier.arrive $0xFFFF  }
0x5a: {  	[sflag:s0] =	ssyncadd.tile.s32 @!p0 $0x1;
	_ =	shalt  }
.Lfunc_end2:
_tile_overlayer_lowered:
.L_overlay_start_2:
0x5b: {  	(tag) =	ssettag $0x2  }
0x5c: {  	s0 =	rddreg [dreg:$0x0];
	s2 =	stileid.u32  }
0x5d: {  	s1 =	rddreg [dreg:$0x1];
	p0 =	sne.s32 s2, $0x0  }
0x5e: {  	s3 =	rddreg [dreg:$0x2];
	[bflag:$0x3] =	sbarrier.arrive $0xFFFF;
	s2 =	simm.s32 @!p0 $0x1C02  }
0x5f: {  	[timem:s3], [sflag:s2] =	dma.local @!p0 [hbm:s0], s1  }
0x60: {  	s0 =	simm.s32 @!p0 $0x2  }
0x61: {  	_ =	swait.ge @!p0 [sflag:s0], s1  }
0x62: {  	s1 =	ssub.s32 @!p0 $0x0, s1;
	[sflag:s0] =	ssyncset.done @!p0 $0x0  }
0x63: {  	[sflag:s0] =	ssyncadd.s32 @!p0 s1  }
0x64: {  	[bflag:$0x3] =	sbarrier.arrive $0xFFFF  }
0x65: {  	_ =	shalt  }

// kernel: kernel.7.cloned.1.call-start
scs
__scs_entry_jumppad:
0x0: {  	(pc) =	sbr.rel $0x88, $3  }
0x1: {  	(tag) =	ssettag $0x0;
	lr =	simm.s32 $0x1  }
0x2: {  	[smem:$0x3F97] =	sst lr;
	_ =	strace $0xD0000000  }
0x3: {  	_ = 	snop  }
0x4: {  	_ = 	snop  }
0x5: {  	_ = 	snop  }
0x6: {  	_ = 	snop  }
0x7: {  	_ = 	snop  }
__scs_overlays_trampoline_lowered:
0x8: {  	[smem:$0x3FA6] =	sst s0  }
0x9: {  	[smem:$0x3FA7] =	sst s1  }
0xa: {  	[smem:$0x3FA8] =	sst s2  }
0xb: {  	[smem:$0x3FA9] =	sst s3  }
0xc: {  	[smem:$0x3FAA] =	sst s4  }
0xd: {  	[smem:$0x3FAB] =	sst s5  }
0xe: {  	[smem:$0x3FAC] =	sst s6  }
0xf: {  	[smem:$0x3FAD] =	sst s7  }
0x10: {  	[smem:$0x3FAE] =	sst s8  }
0x11: {  	[smem:$0x3FAF] =	sst s9;
	s0 =	simm.s32 @!p0 $0x0  }
0x12: {  	s1 =	sld [smem:$0x3F95];
	s0 =	simm.s32 @p0 $0x1  }
0x13: {  	[smem:$0x3FB0] =	sst s0;
	s0 =	simm.s32 @!p1 $0x0  }
0x14: {  	s2 =	sld [smem:$0x3F94];
	s0 =	simm.s32 @p1 $0x1  }
0x15: {  	[smem:$0x3FB1] =	sst s0;
	s0 =	simm.s32 @!p2 $0x0  }
0x16: {  	s3 =	sld [smem:$0x3FDB];
	s0 =	simm.s32 @p2 $0x1  }
0x17: {  	s4 =	simm.s32 $0x1BF5;
	[smem:$0x3FB3] =	sst s0  }
0x18: {  	s0 =	sld [smem:$0x3F96];
	_ =	swait.ge [sflag:s4], $0x0  }
0x19: {  	s7 =	sld [smem:$0x3F97]  }
0x1a: {  	s8 =	sadd.s32 $0xFFFFE003, lr  }
0x1b: {  	s9 =	sadd.s32 $0xFFFFFEF7, lr;
	s5 =	simm.s32 $0xFFFFFFFF;
	p2 =	slt.u32 s8, $0xFFFFF086  }
0x1c: {  	p1 =	slt.u32 s9, $0xF7A;
	s5 =	simm.s32 @!p2 $0x0  }
0x1d: {  	s5 =	simm.s32 @p1 $0x1;
	p0 =	seq.s32 s7, s2  }
0x1e: {  	s7 =	smul.u32 @!p0 $0xF7A, s2;
	p2 =	seq.s32 @!p0 s5, $0x0  }
0x1f: {  	s9 =	smul.u32 $0xF7A, s1;
	s8 =	simm.s32 @!p0 $0x1BF5;
	p2 =	por !p2, p0  }
0x20: {  	[sflag:s8] =	ssyncset.s32 @!p0 $0xFFFFF086;
	s6 =	sadd.s32 @!p0 s3, s7;
	s7 =	simm.s32 @!p0 $0x108  }
0x21: {  	s3 =	sadd.s32 s3, s9;
	s6 =	sadd.s32 @!p0 $0x88, s6;
	s7 =	simm.s32 @p2 $0x1082  }
0x22: {  	[simem:s7], [sflag:s8] =	dma.local @!p0 [hbm:s6], $0xF7A  }
0x23: {  	s9 =	sor.u32 $0xD0000000, s2;
	s6 =	simm.s32 $0x108;
	_ =	swait.ge @!p0 [sflag:s8], $0x0  }
0x24: {  	s3 =	sadd.s32 $0x88, s3;
	s6 =	simm.s32 @!p1 $0x1082;
	[sflag:s4] =	ssyncset.s32 $0xFFFFF086  }
0x25: {  	[simem:s6], [sflag:s4] =	dma.local [hbm:s3], $0xF7A  }
0x26: {  	[smem:$0x3F97] =	sst s1;
	(tag) =	ssettag s2;
	_ =	strace s9  }
0x27: {  	s1 =	sld [smem:$0x3FA7]  }
0x28: {  	s2 =	sld [smem:$0x3FA8]  }
0x29: {  	s4 =	sld [smem:$0x3FAA]  }
0x2a: {  	p0 =	seq.s32 s5, $0x0;
	s5 =	sld [smem:$0x3FAB]  }
0x2b: {  	s6 =	sld [smem:$0x3FAC]  }
0x2c: {  	s7 =	sld [smem:$0x3FAD]  }
0x2d: {  	s3 =	simm.s32 $0x108;
	s8 =	sld [smem:$0x3FAE]  }
0x2e: {  	s3 =	simm.s32 @!p0 $0x1082;
	s9 =	sld [smem:$0x3FAF]  }
0x2f: {  	lr =	sadd.s32 s0, s3;
	s0 =	sld [smem:$0x3FA6]  }
0x30: {  	s3 =	sld [smem:$0x3FA9]  }
0x31: {  	[smem:$0x3FB2] =	sst s10  }
0x32: {  	s10 =	sld [smem:$0x3FB0];
	_ =	sdelay $0x3  }
0x33: {  	p0 =	seq.s32 s10, $0x1;
	s10 =	sld [smem:$0x3FB2];
	_ =	sdelay $0x3  }
0x34: {  	[smem:$0x3FB2] =	sst s10  }
0x35: {  	s10 =	sld [smem:$0x3FB1];
	_ =	sdelay $0x3  }
0x36: {  	p1 =	seq.s32 s10, $0x1;
	s10 =	sld [smem:$0x3FB2];
	_ =	sdelay $0x3  }
0x37: {  	[smem:$0x3FB2] =	sst s10  }
0x38: {  	s10 =	sld [smem:$0x3FB3]  }
0x39: {  	_ = 	snop;
	(pc) =	sbr.ind lr, $3  }
0x3a: {  	_ = 	snop  }
0x3b: {  	_ = 	snop  }
0x3c: {  	p2 =	seq.s32 s10, $0x1;
	s10 =	sld [smem:$0x3FB2]  }
0x3d: {  	_ =	shalt  }
0x3e: {  	_ =	shalt  }
0x3f: {  	_ =	shalt  }
0x40: {  	_ =	shalt  }
0x41: {  	_ =	shalt  }
0x42: {  	_ =	shalt  }
0x43: {  	_ =	shalt  }
0x44: {  	_ =	shalt  }
0x45: {  	_ =	shalt  }
0x46: {  	_ =	shalt  }
0x47: {  	_ =	shalt  }
0x48: {  	_ =	shalt  }
0x49: {  	_ =	shalt  }
0x4a: {  	_ =	shalt  }
0x4b: {  	_ =	shalt  }
0x4c: {  	_ =	shalt  }
0x4d: {  	_ =	shalt  }
0x4e: {  	_ =	shalt  }
0x4f: {  	_ =	shalt  }
0x50: {  	_ =	shalt  }
0x51: {  	_ =	shalt  }
0x52: {  	_ =	shalt  }
0x53: {  	_ =	shalt  }
0x54: {  	_ =	shalt  }
0x55: {  	_ =	shalt  }
0x56: {  	_ =	shalt  }
0x57: {  	_ =	shalt  }
0x58: {  	_ =	shalt  }
0x59: {  	_ =	shalt  }
0x5a: {  	_ =	shalt  }
0x5b: {  	_ =	shalt  }
0x5c: {  	_ =	shalt  }
0x5d: {  	_ =	shalt  }
0x5e: {  	_ =	shalt  }
0x5f: {  	_ =	shalt  }
0x60: {  	_ =	shalt  }
0x61: {  	_ =	shalt  }
0x62: {  	_ =	shalt  }
0x63: {  	_ =	shalt  }
0x64: {  	_ =	shalt  }
0x65: {  	_ =	shalt  }
0x66: {  	_ =	shalt  }
0x67: {  	_ =	shalt  }
0x68: {  	_ =	shalt  }
0x69: {  	_ =	shalt  }
0x6a: {  	_ =	shalt  }
0x6b: {  	_ =	shalt  }
0x6c: {  	_ =	shalt  }
0x6d: {  	_ =	shalt  }
0x6e: {  	_ =	shalt  }
0x6f: {  	_ =	shalt  }
0x70: {  	_ =	shalt  }
0x71: {  	_ =	shalt  }
0x72: {  	_ =	shalt  }
0x73: {  	_ =	shalt  }
0x74: {  	_ =	shalt  }
0x75: {  	_ =	shalt  }
0x76: {  	_ =	shalt  }
0x77: {  	_ =	shalt  }
0x78: {  	_ =	shalt  }
0x79: {  	_ =	shalt  }
0x7a: {  	_ =	shalt  }
0x7b: {  	_ =	shalt  }
0x7c: {  	_ =	shalt  }
0x7d: {  	_ =	shalt  }
0x7e: {  	_ =	shalt  }
0x7f: {  	_ =	shalt  }
0x80: {  	_ =	shalt  }
0x81: {  	_ =	shalt  }
0x82: {  	_ =	shalt  }
0x83: {  	_ =	shalt  }
0x84: {  	_ =	shalt  }
0x85: {  	_ =	shalt  }
0x86: {  	_ =	shalt  }
0x87: {  	_ =	shalt  }
.Lfunc_end0:
.L_simem_size_0:
called_computation_lowered:
.L_overlay_start_0:
0x88: {  	s2 =	sld [smem:$0x3FD9]  }
0x89: {  	s3 =	sld [smem:$0x3FFE];
	_ =	sdelay $0x1  }
0x8a: {  	s1 =	srdreg.scid  }
0x8b: {  	s0 =	sand.u32 $0x1, s1  }
0x8c: {  	s17 =	sshll.u32 s0, $0xA;
	s2 =	sadd.s32 s3, s2  }
0x8d: {  	s2 =	sadd.s32 s2, s17  }
0x8e: {  	[smem:$0x3FBE] =	sst s2  }
0x8f: {  	_ = 	snop  }
0x90: {  	s18 =	sld [smem:$0x3FD0];
	(tm) =	ssettm $0x1  }
0x91: {  	s19 =	sld [smem:$0x3FFB];
	_ =	sdelay $0x3  }
0x92: {  	_ =	strace s19  }
0x93: {  	s2 =	sld [smem:$0x3FFC];
	_ =	sdelay $0x3  }
0x94: {  	_ =	strace s2  }
0x95: {  	s2 =	sld [smem:$0x3FFD];
	_ =	sdelay $0x3  }
0x96: {  	_ =	strace s2  }
0x97: {  	_ =	strace $0x8FFFFFFF  }
0x98: {  	s20 =	sld [smem:$0x3FDB];
	_ =	sdelay $0x1  }
0x99: {  	s4 =	simm.s32 $_scs_section_size  }
0x9a: {  	s5 =	simm.s32 $_size__tile_overlayer_lowered;
	s6 =	simm.s32 $_tile_overlayer_lowered  }
0x9b: {  	s7 =	simm.s32 $0x1BFF;
	s21 =	sshll.u32 s6, $0x1;
	s4 =	sadd.s32 s4, s20  }
0x9c: {  	s22 =	simm.s32 $0x0;
	s5 =	sshll.u32 s5, $0x1;
	s6 =	sadd.s32 s21, s4  }
0x9d: {  	[timem:s22], [sflag:s7] =	dma.local [hbm:s6], s5  }
0x9e: {  	_ =	swait.ge [sflag:s7], s5  }
0x9f: {  	s5 =	ssub.s32 $0x0, s5;
	[sflag:s7] =	ssyncset.done $0x0  }
0xa0: {  	[sflag:s7] =	ssyncadd.s32 s5;
	_ =	sdelay $0x1  }
0xa1: {  	s23 =	simm.s32 $0x1B8B  }
0xa2: {  	_ =	swait.ge [sflag:s23], $0x1  }
0xa3: {  	[sflag:s23] =	ssyncset.done $0x0  }
0xa4: {  	[sflag:s23] =	ssyncadd.s32 $0xFFFFFFFF  }
0xa5: {  	s5 =	sld [smem:$0x0]  }
0xa6: {  	s6 =	sand.u32 $0xFFFFFFFE, s1  }
0xa7: {  	p0 =	sne.s32 s1, s6  }
0xa8: {  	s6 =	sshll.u32 @p0 s6, $0xE  }
0xa9: {  	s6 =	sadd.s32 @p0 $0x11B8D, s6;
	s7 =	sshll.u32 @p0 s5, $0x11  }
0xaa: {  	s6 =	sor.u32 @p0 s7, s6  }
0xab: {  	[sflag:s6] =	ssyncadd.remote.s32 @p0 $0x1;
	_ =	sdelay $0x1  }
0xac: {  	s6 =	simm.s32 @p0 $0x1B8D  }
0xad: {  	_ =	swait.eq @p0 [sflag:s6], $0x1  }
0xae: {  	[sflag:s6] =	ssyncadd.s32 @p0 $0xFFFFFFFF  }
0xaf: {  	s7 =	sshll.u32 @!p0 s1, $0xE  }
0xb0: {  	s7 =	sor.u32 @!p0 $0x4000, s7;
	s6 =	simm.s32 @!p0 $0x1B8D  }
0xb1: {  	s5 =	sshll.u32 @!p0 s5, $0x11;
	s7 =	sadd.s32 @!p0 $0x11B8D, s7;
	_ =	swait.eq @!p0 [sflag:s6], $0x1  }
0xb2: {  	s5 =	sor.u32 @!p0 s5, s7;
	[sflag:s6] =	ssyncadd.s32 @!p0 $0xFFFFFFFF  }
0xb3: {  	s25 =	simm.s32 $0x1B8E;
	s24 =	sld [smem:$0x3FFE];
	[sflag:s5] =	ssyncadd.remote.s32 @!p0 $0x1  }
0xb4: {  	s26 =	simm.s32 $execute0_lowered;
	[smem:$0x3FD2] =	sst s25  }
0xb5: {  	s6 =	sshll.u32 s26, $0x1;
	_ =	strace $0x80000049;
	[dreg:$0x1] =	wrdreg $0xFFFFFFFF  }
0xb6: {  	s28 =	simm.s32 $_size_execute0_lowered;
	s4 =	sadd.s32 s4, s6;
	[dreg:$0x0] =	wrdreg $0x0  }
0xb7: {  	s6 =	sshll.u32 s28, $0x1;
	[dreg:$0x2] =	wrdreg s4  }
0xb8: {  	[dreg:$0x3] =	wrdreg s6  }
0xb9: {  	[dreg:$0x4] =	wrdreg $0xC0  }
0xba: {  	_ =	task [dreg:s22], $0x5FFFF  }
0xbb: {  	[dreg:$0x1] =	wrdreg $0xFFFFFFFF  }
0xbc: {  	[dreg:$0x0] =	wrdreg $0x60  }
0xbd: {  	[dreg:$0x2] =	wrdreg s24  }
0xbe: {  	[dreg:$0x3] =	wrdreg s18  }
0xbf: {  	[dreg:$0x4] =	wrdreg $0x9  }
0xc0: {  	_ =	task.clear_ibuf [dreg:s22], $0x5FFFF;
	_ =	strace $0x90000049  }
0xc1: {  	s29 =	simm.s32 $0x9;
	_ =	strace $0x8000004B  }
0xc2: {  	_ =	swait.ge [sflag:s29], $0x1  }
0xc3: {  	[sflag:s29] =	ssyncadd.s32 $0xFFFFFFFF  }
0xc4: {  	_ =	strace $0x9000004B  }
0xc5: {  	_ =	sfence  }
0xc6: {  	s30 =	sld [smem:$0x0];
	_ =	sdelay $0x2  }
0xc7: {  	s31 =	sshll.u32 s1, $0xD;
	s1 =	sshrl.u32 s1, $0x2  }
0xc8: {  	s4 =	sand.u32 $0x4000, s31;
	s1 =	sadd.s32 s1, s30  }
0xc9: {  	s0 =	sor.u32 s4, s0;
	s1 =	sshll.u32 s1, $0x11  }
0xca: {  	s0 =	sor.u32 s1, s0  }
0xcb: {  	s0 =	sadd.s32 $0x8F2B, s0  }
0xcc: {  	[sflag:s0] =	ssyncadd.remote.s32 $0x1  }
0xcd: {  	_ =	sfence.sel $0xFFFF  }
0xce: {  	[dreg:$0x0] =	wrdreg $0xFFFFFFFF;
	(pc) =	sbr.abs _section_cstart, $3  }
0xcf: {  	[dreg:$0x1] =	wrdreg $0xFFFFFFFF  }
0xd0: {  	_ =	task.clear_ibuf [dreg:s22], $0x2FFFF;
	_ =	strace $0x9FFFFFFF  }
0xd1: {  	(tm) =	ssettm $0x7FFFFFFF  }
tec
execute0_lowered:
.L_overlay_start_1:
0x0: {  	(tag) =	ssettag $0x1  }
0x1: {  	s1 =	srdreg.scid  }
0x2: {  	s14 =	rddreg [dreg:$0x0];
	s0 =	stileid.u32;
	s16 =	sand.u32 $0x1, s1  }
0x3: {  	s3 =	rddreg [dreg:$0x1];
	s4 =	sshll.u32 s0, $0xA;
	s5 =	sshll.u32 s16, $0x9  }
0x4: {  	s2 =	simm.s32 $0x0;
	s1 =	rddreg [dreg:$0x2];
	s15 =	sor.u32 s5, s4  }
0x5: {  	[smem:$0x7FF] =	sst s2;
	s4 =	sshrl.u32 s15, $0x3  }
0x6: {  	_ =	strace $0x8000004A;
	s4 =	sadd.s32 s3, s4;
	s3 =	simm.s32 $0x2  }
0x7: {  	[tilespmem:s2], [sflag:$0x2] =	stream.linear.gather [hbm4b:s4+s2], $0x200, $0x38;
	[tilespmem:$0x10200] =	vst v63  }
0x8: {  	_ =	swait.ge [sflag:s3], $0x200  }
0x9: {  	s6 =	simm.s32 $0x80;
	[sflag:s3] =	ssyncset.done $0x0  }
0xa: {  	s7 =	simm.s32 $0x200;
	s5 =	sadd.s32 $0x236800, s14;
	[sflag:s3] =	ssyncadd.s32 $0xFFFFFE00  }
0xb: {  	[tilespmem:s7], [sflag:$0x1] =	stream.indirect.gather [hbm4b:s5+s6], $0x80, s2, s6, $0xb8;
	[tilespmem:$0x10200] =	vst v63  }
0xc: {  	s8 =	simm.s32 $0x4200  }
0xd: {  	[tilespmem:s8], [sflag:$0x1] =	stream.indirect.gather [hbm4b:s5+s6], $0x80, s6, s6, $0xb8;
	[tilespmem:$0x10200] =	vst v63  }
0xe: {  	s9 =	simm.s32 $0x100;
	s10 =	simm.s32 $0x8200  }
0xf: {  	[tilespmem:s10], [sflag:$0x1] =	stream.indirect.gather [hbm4b:s5+s6], $0x80, s9, s6, $0xb8;
	[tilespmem:$0x10200] =	vst v63  }
0x10: {  	s11 =	simm.s32 $0x180;
	s12 =	simm.s32 $0xC200;
	s13 =	simm.s32 $0x1  }
0x11: {  	[tilespmem:s12], [sflag:$0x1] =	stream.indirect.gather [hbm4b:s5+s6], $0x80, s11, s6, $0xb8;
	[tilespmem:$0x10200] =	vst v63  }
0x12: {  	_ =	swait.ge [sflag:s13], $0x4000  }
0x13: {  	[sflag:s13] =	ssyncset.done $0x0  }
0x14: {  	[sflag:s13] =	ssyncadd.s32 $0xFFFFC000  }
0x15: {  	_ =	swait.ge [sflag:s13], $0x4000  }
0x16: {  	[sflag:s13] =	ssyncset.done $0x0  }
0x17: {  	[sflag:s13] =	ssyncadd.s32 $0xFFFFC000  }
0x18: {  	_ =	swait.ge [sflag:s13], $0x4000  }
0x19: {  	[sflag:s13] =	ssyncset.done $0x0  }
0x1a: {  	[sflag:s13] =	ssyncadd.s32 $0xFFFFC000  }
0x1b: {  	s15 =	sshll.u32 s15, $0x4;
	_ =	swait.ge [sflag:s13], $0x4000  }
0x1c: {  	s17 =	sadd.s32 s15, s14;
	[sflag:s13] =	ssyncset.done $0x0  }
0x1d: {  	s14 =	sadd.s32 $0x268800, s17;
	[sflag:s13] =	ssyncadd.s32 $0xFFFFC000  }
0x1e: {  	[hbm4b:s14+s2] =	stream.linear.scatter [tilespmem:s7], [sflag:$0x2], $0x4000, $0x38;
	[tilespmem:$0x10200] =	vst v63  }
0x1f: {  	_ =	swait.ge [sflag:s3], $0x4000  }
0x20: {  	[sflag:s3] =	ssyncset.done $0x0  }
0x21: {  	s18 =	ssub.s32 $0x2, s16;
	s15 =	sadd.s32 $0x269000, s17;
	[sflag:s3] =	ssyncadd.s32 $0xFFFFC000  }
0x22: {  	[hbm4b:s15+s2] =	stream.linear.scatter [tilespmem:s8], [sflag:$0x2], $0x4000, $0x38;
	[tilespmem:$0x10200] =	vst v63  }
0x23: {  	s19 =	sshrl.u32 s18, $0x1;
	_ =	swait.ge [sflag:s3], $0x4000  }
0x24: {  	s18 =	ssub.s32 s18, s19;
	[sflag:s3] =	ssyncset.done $0x0  }
0x25: {  	s18 =	smax.u32 s18, $0x1;
	s16 =	sadd.s32 $0x269800, s17;
	[sflag:s3] =	ssyncadd.s32 $0xFFFFC000  }
0x26: {  	[hbm4b:s16+s2] =	stream.linear.scatter [tilespmem:s10], [sflag:$0x2], $0x4000, $0x38;
	[tilespmem:$0x10200] =	vst v63  }
0x27: {  	p0 =	sne.s32 s18, $0x1;
	_ =	swait.ge [sflag:s3], $0x4000  }
.Ltmp0:
0x28: {  	[sflag:s3] =	ssyncset.done $0x0;
	(pc) =	sbr.rel @!p0 .LBB2_2-.Ltmp0, $4  }
0x29: {  	s17 =	sadd.s32 $0x26A000, s17;
	[sflag:s3] =	ssyncadd.s32 $0xFFFFC000  }
0x2a: {  	[hbm4b:s17+s2] =	stream.linear.scatter [tilespmem:s12], [sflag:$0x2], $0x4000, $0x38;
	[tilespmem:$0x10200] =	vst v63  }
0x2b: {  	_ =	swait.ge [sflag:s3], $0x4000  }
0x2c: {  	s18 =	sadd.s32 $0xFFFFFFFF, s18;
	[sflag:s3] =	ssyncset.done $0x0  }
.LBB2_1:
0x2d: {  	p0 =	sne.s32 s18, $0x1;
	s18 =	sadd.s32 $0xFFFFFFFF, s18;
	[sflag:s3] =	ssyncadd.s32 $0xFFFFC000  }
0x2e: {  	[tilespmem:s2], [sflag:$0x2] =	stream.linear.gather [hbm4b:s4+s2], $0x200, $0x38;
	[tilespmem:$0x10200] =	vst v63  }
0x2f: {  	_ =	swait.ge [sflag:s3], $0x200  }
0x30: {  	[sflag:s3] =	ssyncset.done $0x0  }
0x31: {  	[sflag:s3] =	ssyncadd.s32 $0xFFFFFE00  }
0x32: {  	[tilespmem:s7], [sflag:$0x1] =	stream.indirect.gather [hbm4b:s5+s6], $0x80, s2, s6, $0xb8;
	[tilespmem:$0x10200] =	vst v63  }
0x33: {  	_ = 	snop  }
0x34: {  	[tilespmem:s8], [sflag:$0x1] =	stream.indirect.gather [hbm4b:s5+s6], $0x80, s6, s6, $0xb8;
	[tilespmem:$0x10200] =	vst v63  }
0x35: {  	_ = 	snop  }
0x36: {  	[tilespmem:s10], [sflag:$0x1] =	stream.indirect.gather [hbm4b:s5+s6], $0x80, s9, s6, $0xb8;
	[tilespmem:$0x10200] =	vst v63  }
0x37: {  	_ = 	snop  }
0x38: {  	[tilespmem:s12], [sflag:$0x1] =	stream.indirect.gather [hbm4b:s5+s6], $0x80, s11, s6, $0xb8;
	[tilespmem:$0x10200] =	vst v63  }
0x39: {  	_ =	swait.ge [sflag:s13], $0x4000  }
0x3a: {  	[sflag:s13] =	ssyncset.done $0x0  }
0x3b: {  	[sflag:s13] =	ssyncadd.s32 $0xFFFFC000  }
0x3c: {  	_ =	swait.ge [sflag:s13], $0x4000  }
0x3d: {  	[sflag:s13] =	ssyncset.done $0x0  }
0x3e: {  	[sflag:s13] =	ssyncadd.s32 $0xFFFFC000  }
0x3f: {  	_ =	swait.ge [sflag:s13], $0x4000  }
0x40: {  	[sflag:s13] =	ssyncset.done $0x0  }
0x41: {  	[sflag:s13] =	ssyncadd.s32 $0xFFFFC000  }
0x42: {  	_ =	swait.ge [sflag:s13], $0x4000  }
0x43: {  	[sflag:s13] =	ssyncset.done $0x0  }
0x44: {  	[sflag:s13] =	ssyncadd.s32 $0xFFFFC000  }
0x45: {  	[hbm4b:s14+s2] =	stream.linear.scatter [tilespmem:s7], [sflag:$0x2], $0x4000, $0x38;
	[tilespmem:$0x10200] =	vst v63  }
0x46: {  	_ =	swait.ge [sflag:s3], $0x4000  }
0x47: {  	[sflag:s3] =	ssyncset.done $0x0  }
0x48: {  	[sflag:s3] =	ssyncadd.s32 $0xFFFFC000  }
0x49: {  	[hbm4b:s15+s2] =	stream.linear.scatter [tilespmem:s8], [sflag:$0x2], $0x4000, $0x38;
	[tilespmem:$0x10200] =	vst v63  }
0x4a: {  	_ =	swait.ge [sflag:s3], $0x4000  }
0x4b: {  	[sflag:s3] =	ssyncset.done $0x0  }
0x4c: {  	[sflag:s3] =	ssyncadd.s32 $0xFFFFC000  }
0x4d: {  	[hbm4b:s16+s2] =	stream.linear.scatter [tilespmem:s10], [sflag:$0x2], $0x4000, $0x38;
	[tilespmem:$0x10200] =	vst v63  }
0x4e: {  	_ =	swait.ge [sflag:s3], $0x4000  }
.Ltmp1:
0x4f: {  	[sflag:s3] =	ssyncset.done $0x0;
	(pc) =	sbr.rel @p0 .LBB2_1-.Ltmp1, $4  }
0x50: {  	[sflag:s3] =	ssyncadd.s32 $0xFFFFC000  }
0x51: {  	[hbm4b:s17+s2] =	stream.linear.scatter [tilespmem:s12], [sflag:$0x2], $0x4000, $0x38;
	[tilespmem:$0x10200] =	vst v63  }
0x52: {  	_ =	swait.ge [sflag:s3], $0x4000  }
0x53: {  	[sflag:s3] =	ssyncset.done $0x0  }
.LBB2_2:
0x54: {  	[sflag:s3] =	ssyncadd.s32 $0xFFFFC000  }
0x55: {  	_ =	sfence.sel $0x180000  }
0x56: {  	[bflag:$0x0] =	sbarrier.arrive $0xFFFF  }
0x57: {  	p0 =	sne.s32 s0, $0x0;
	_ =	strace $0x9000004A  }
0x58: {  	s0 =	sadd.s32 @!p0 $0x100000, s1;
	[bflag:$0x2] =	sbarrier.arrive $0xFFFF  }
0x59: {  	[sflag:s0] =	ssyncadd.tile.s32 @!p0 $0x1;
	_ =	shalt  }
.Lfunc_end2:
_tile_overlayer_lowered:
.L_overlay_start_2:
0x5a: {  	(tag) =	ssettag $0x2  }
0x5b: {  	s0 =	rddreg [dreg:$0x0];
	s2 =	stileid.u32  }
0x5c: {  	s1 =	rddreg [dreg:$0x1];
	p0 =	sne.s32 s2, $0x0  }
0x5d: {  	s3 =	rddreg [dreg:$0x2];
	[bflag:$0x3] =	sbarrier.arrive $0xFFFF;
	s2 =	simm.s32 @!p0 $0x1C02  }
0x5e: {  	[timem:s3], [sflag:s2] =	dma.local @!p0 [hbm:s0], s1  }
0x5f: {  	s0 =	simm.s32 @!p0 $0x2  }
0x60: {  	_ =	swait.ge @!p0 [sflag:s0], s1  }
0x61: {  	s1 =	ssub.s32 @!p0 $0x0, s1;
	[sflag:s0] =	ssyncset.done @!p0 $0x0  }
0x62: {  	[sflag:s0] =	ssyncadd.s32 @!p0 s1  }
0x63: {  	[bflag:$0x3] =	sbarrier.arrive $0xFFFF  }
0x64: {  	_ =	shalt  }

</sc_bundles>
